<compile_context>
chip_gen: v7x
topology: tpu7x:2x2x1
jax: 0.10.2.dev20260603
libtpu: 0.0.44.dev20260713+nightly
codegen_flags: <defaults>
</compile_context>

<pallas_src>
import functools

import jax
import jax.numpy as jnp
from jax import lax
from jax.experimental import pallas as pl
from jax.experimental.pallas import tpu as pltpu
from jax.experimental.pallas import tpu_sc as plsc

N_NODES = 10000
N_EDGES = 320000
D = 128

NW = 32
CB = 128
CH = 80
E_PAD = NW * CH * CB
N_PAD = 10112
STRIPE = N_PAD // 16
SHIFT = 14
MASK = (1 << SHIFT) - 1

_mesh = plsc.VectorSubcoreMesh(core_axis_name="c", subcore_axis_name="s")


@functools.partial(
    pl.kernel,
    mesh=_mesh,
    out_type=jax.ShapeDtypeStruct((2, N_PAD, D), jnp.float32),
    scratch_types=[
        pltpu.VMEM((CH, CB), jnp.int32),
        pltpu.VMEM((2, CB), jnp.int32),
        pltpu.VMEM((2, CB), jnp.int32),
        pltpu.VMEM((CB, D), jnp.float32),
        pltpu.VMEM((CB, D), jnp.float32),
        pltpu.VMEM_SHARED((N_PAD, D), jnp.float32),
        pltpu.SemaphoreType.DMA,
        pltpu.SemaphoreType.DMA,
    ],
)
def _sc_features(feat_hbm, edges_hbm, zf_hbm, outp_hbm,
                 pk_v, src_c, dst_c, buf0, buf1, acc, sem0, sem1):
    c = lax.axis_index("c")
    s = lax.axis_index("s")
    wid = c * 16 + s

    pltpu.sync_copy(edges_hbm.at[wid], pk_v)
    pltpu.sync_copy(zf_hbm, acc.at[pl.ds(s * STRIPE, STRIPE)])
    plsc.subcore_barrier()

    bufs = (buf0, buf1)
    sems = (sem0, sem1)

    def gather(j, b):
        for k in range(CB // 16):
            v = pk_v[j, pl.ds(k * 16, 16)]
            src_c[b, pl.ds(k * 16, 16)] = lax.shift_right_logical(v, SHIFT)
            dst_c[b, pl.ds(k * 16, 16)] = lax.bitwise_and(v, MASK)
        pltpu.async_copy(feat_hbm.at[src_c.at[b]], bufs[b], sems[b])

    def drain_scatter(b):
        pltpu.make_async_copy(feat_hbm.at[src_c.at[b]], bufs[b], sems[b]).wait()
        pltpu.sync_copy(bufs[b], acc.at[dst_c.at[b]], add=True)

    gather(0, 0)
    NIT = CH // 2

    def body(jo, carry):
        j0 = 2 * jo
        gather(j0 + 1, 1)
        drain_scatter(0)

        @pl.when(jo < NIT - 1)
        def _():
            gather(j0 + 2, 0)

        drain_scatter(1)
        return carry

    lax.fori_loop(0, NIT, body, 0)
    plsc.subcore_barrier()

    pltpu.sync_copy(acc.at[pl.ds(s * STRIPE, STRIPE)],
                    outp_hbm.at[c, pl.ds(s * STRIPE, STRIPE)])


@functools.partial(
    pl.kernel,
    mesh=_mesh,
    out_type=jax.ShapeDtypeStruct((2, N_PAD, D), jnp.float32),
    scratch_types=[
        pltpu.VMEM((CH, CB), jnp.int32),
        pltpu.VMEM((1, CB), jnp.int32),
        pltpu.VMEM((CB, D), jnp.float32),
        pltpu.VMEM_SHARED((N_PAD, D), jnp.float32),
    ],
)
def _sc_degree(edges_hbm, zd_hbm, ones_hbm, outd_hbm,
               pk_v, dst_c, ones_v, dega):
    c = lax.axis_index("c")
    s = lax.axis_index("s")
    wid = c * 16 + s

    pltpu.sync_copy(edges_hbm.at[wid], pk_v)
    pltpu.sync_copy(ones_hbm, ones_v)
    pltpu.sync_copy(zd_hbm, dega.at[pl.ds(s * STRIPE, STRIPE)])
    plsc.subcore_barrier()

    def body(j, carry):
        for k in range(CB // 16):
            v = pk_v[j, pl.ds(k * 16, 16)]
            dst_c[0, pl.ds(k * 16, 16)] = lax.bitwise_and(v, MASK)
        pltpu.sync_copy(ones_v, dega.at[dst_c.at[0]], add=True)
        return carry

    lax.fori_loop(0, CH, body, 0)
    plsc.subcore_barrier()

    pltpu.sync_copy(dega.at[pl.ds(s * STRIPE, STRIPE)],
                    outd_hbm.at[c, pl.ds(s * STRIPE, STRIPE)])


def _tc_body(p_ref, d_ref, w_ref, b_ref, o_ref):
    ssum = p_ref[0] + p_ref[1]
    h = jnp.dot(ssum, w_ref[...], preferred_element_type=jnp.float32)
    dsum = d_ref[0] + d_ref[1]
    deg = dsum[:, 0:1]
    norm = lax.rsqrt(jnp.maximum(deg, 1.0))
    o_ref[...] = h * norm + b_ref[...]


_BR = 1264

_tc_finish = pl.pallas_call(
    _tc_body,
    grid=(N_PAD // _BR,),
    in_specs=[
        pl.BlockSpec((2, _BR, D), lambda i: (0, i, 0)),
        pl.BlockSpec((2, _BR, D), lambda i: (0, i, 0)),
        pl.BlockSpec((D, D), lambda i: (0, 0)),
        pl.BlockSpec((1, D), lambda i: (0, 0)),
    ],
    out_specs=pl.BlockSpec((_BR, D), lambda i: (i, 0)),
    out_shape=jax.ShapeDtypeStruct((N_PAD, D), jnp.float32),
)


def kernel(feat, edge_index, weight, bias):
    src = edge_index[0]
    dst = edge_index[1]
    pad = E_PAD - N_EDGES
    pad_src = (jnp.arange(pad, dtype=jnp.int32) * 997) % N_NODES
    packed = jnp.concatenate([
        lax.shift_left(src, SHIFT) | dst,
        lax.shift_left(pad_src, SHIFT) | (N_PAD - 1),
    ]).reshape(NW, CH, CB)
    zf = jnp.zeros((STRIPE, D), jnp.float32)
    zd = jnp.zeros((STRIPE, D), jnp.float32)
    ones = jnp.ones((CB, D), jnp.float32)
    partials = _sc_features(feat, packed, zf)
    degp = _sc_degree(packed, zd, ones)
    out = _tc_finish(partials, degp, weight, bias.reshape(1, D))
    return out[:N_NODES]

# --- scband reference (transcript-rebuilt; emitter-appended) ---
"""Pipeline reference for scband-graph-conv-50276887167203 (READ-ONLY COPY).

The authoritative reference and input builder live on the scoring server;
editing this copy changes nothing except your own understanding.
"""

import jax, jax.numpy as jnp
import numpy as np

N_NODES = 10000
N_EDGES = 320000
IN_FEATS = 128
OUT_FEATS = 128


def setup_inputs(seed: int = 0) -> dict:
    key = jax.random.key(seed)
    k1, k2, k3 = jax.random.split(key, 3)
    feat = jax.random.normal(k1, (N_NODES, IN_FEATS), dtype=jnp.float32)
    edge_index = jax.random.randint(k2, (2, N_EDGES), 0, N_NODES, dtype=jnp.int32)
    # xavier_uniform init for weight
    limit = float(np.sqrt(6.0 / (IN_FEATS + OUT_FEATS)))
    weight = jax.random.uniform(k3, (IN_FEATS, OUT_FEATS), dtype=jnp.float32, minval=-limit, maxval=limit)
    bias = jnp.zeros((OUT_FEATS,), dtype=jnp.float32)
    return {"feat": feat, "edge_index": edge_index, "weight": weight, "bias": bias}


def reference(feat, edge_index, weight, bias):
    src = edge_index[0]
    dst = edge_index[1]
    # message passing: copy_u('h','m') then sum over incoming edges at dst
    messages = jnp.take(feat, src, axis=0)                      # gather [E, D]
    rst = jax.ops.segment_sum(messages, dst, num_segments=N_NODES)  # scatter-add [N, D]
    # linear projection
    rst = rst @ weight
    # symmetric-ish norm by in-degree^{-1/2}
    deg = jax.ops.segment_sum(jnp.ones((N_EDGES,), dtype=jnp.float32), dst, num_segments=N_NODES)
    deg = jnp.clip(deg, 1.0, None)
    norm = deg ** (-0.5)
    rst = rst * norm[:, None]
    # bias
    rst = rst + bias
    return rst

if __name__ == "__main__":
    import jax
    _d = setup_inputs()
    print(jax.jit(kernel)(*tuple(_d.values())))

</pallas_src>

<mosaic_0001>
#map = affine_map<(d0, d1) -> (0, 0, 0)>
#map1 = affine_map<(d0, d1) -> (0, 0)>
module attributes {stable_mosaic.version = 14 : i64} {
  func.func @_sc_degree(%arg0: i32, %arg1: i32, %arg2: memref<32x80x128xi32, #tpu.memory_space<hbm>>, %arg3: memref<632x128xf32, #tpu.memory_space<hbm>>, %arg4: memref<128x128xf32, #tpu.memory_space<hbm>>, %arg5: memref<2x10112x128xf32, #tpu.memory_space<hbm>>, %arg6: memref<80x128xi32, #tpu.memory_space<vmem>>, %arg7: memref<1x128xi32, #tpu.memory_space<vmem>>, %arg8: memref<128x128xf32, #tpu.memory_space<vmem>>, %arg9: memref<10112x128xf32, #tpu.memory_space<vmem_shared>>) attributes {dimension_semantics = [#tpu.dimension_semantics<core_parallel>, #tpu.dimension_semantics<subcore_parallel>], iteration_bounds = array<i64: 2, 16>, scalar_prefetch = 0 : i64, scratch_operands = 4 : i64, tpu.core_type = #tpu.core_type<sc_vector_subcore>, window_params = [{transform_indices = #map}, {transform_indices = #map1}, {transform_indices = #map1}, {transform_indices = #map}]} {
    %mul3A = arith.constant 16 : i32
    %mul3A_0 = arith.muli %arg0, %mul3A : i32
    %add3A = arith.addi %mul3A_0, %arg1 : i32
    "tpu.region"() ({
      %run_scoped3A = tpu.sem_alloc : memref<!tpu.dma_semaphore, #tpu.memory_space<semaphore_mem>>
      %dma_start3A = arith.constant 0 : i32
      %dma_start3A_13 = arith.constant 0 : i32
      %dma_start3A_14 = tpu.memref_slice %arg2[%add3A, %dma_start3A, %dma_start3A_13] : memref<32x80x128xi32, #tpu.memory_space<hbm>> -> memref<1x80x128xi32, #tpu.memory_space<hbm>>
      %dma_start3A_15 = tpu.memref_squeeze %dma_start3A_14 : memref<1x80x128xi32, #tpu.memory_space<hbm>> -> memref<80x128xi32, #tpu.memory_space<hbm>>
      %dma_start3A_16 = arith.constant 0 : i32
      %dma_start3A_17 = arith.constant 0 : i32
      %dma_start3A_18 = tpu.memref_slice %arg2[%add3A, %dma_start3A_16, %dma_start3A_17] : memref<32x80x128xi32, #tpu.memory_space<hbm>> -> memref<1x80x128xi32, #tpu.memory_space<hbm>>
      %dma_start3A_19 = tpu.memref_squeeze %dma_start3A_18 : memref<1x80x128xi32, #tpu.memory_space<hbm>> -> memref<80x128xi32, #tpu.memory_space<hbm>>
      tpu.enqueue_dma source(%dma_start3A_19 : memref<80x128xi32, #tpu.memory_space<hbm>>) target(%arg6 : memref<80x128xi32, #tpu.memory_space<vmem>>) target_semaphore(%run_scoped3A : memref<!tpu.dma_semaphore, #tpu.memory_space<semaphore_mem>>)
      %dma_wait3A = arith.constant 0 : i32
      %dma_wait3A_20 = arith.constant 0 : i32
      %dma_wait3A_21 = tpu.memref_slice %arg2[%add3A, %dma_wait3A, %dma_wait3A_20] : memref<32x80x128xi32, #tpu.memory_space<hbm>> -> memref<1x80x128xi32, #tpu.memory_space<hbm>>
      %dma_wait3A_22 = tpu.memref_squeeze %dma_wait3A_21 : memref<1x80x128xi32, #tpu.memory_space<hbm>> -> memref<80x128xi32, #tpu.memory_space<hbm>>
      %dma_wait3A_23 = arith.constant 0 : i32
      %dma_wait3A_24 = arith.constant 0 : i32
      %dma_wait3A_25 = tpu.memref_slice %arg2[%add3A, %dma_wait3A_23, %dma_wait3A_24] : memref<32x80x128xi32, #tpu.memory_space<hbm>> -> memref<1x80x128xi32, #tpu.memory_space<hbm>>
      %dma_wait3A_26 = tpu.memref_squeeze %dma_wait3A_25 : memref<1x80x128xi32, #tpu.memory_space<hbm>> -> memref<80x128xi32, #tpu.memory_space<hbm>>
      tpu.wait_dma2 semaphore(%run_scoped3A : memref<!tpu.dma_semaphore, #tpu.memory_space<semaphore_mem>>) src(%dma_wait3A_26 : memref<80x128xi32, #tpu.memory_space<hbm>>) dst(%arg6 : memref<80x128xi32, #tpu.memory_space<vmem>>)
      tpu.yield
    }) : () -> ()
    "tpu.region"() ({
      %run_scoped3A = tpu.sem_alloc : memref<!tpu.dma_semaphore, #tpu.memory_space<semaphore_mem>>
      tpu.enqueue_dma source(%arg4 : memref<128x128xf32, #tpu.memory_space<hbm>>) target(%arg8 : memref<128x128xf32, #tpu.memory_space<vmem>>) target_semaphore(%run_scoped3A : memref<!tpu.dma_semaphore, #tpu.memory_space<semaphore_mem>>)
      tpu.wait_dma2 semaphore(%run_scoped3A : memref<!tpu.dma_semaphore, #tpu.memory_space<semaphore_mem>>) src(%arg4 : memref<128x128xf32, #tpu.memory_space<hbm>>) dst(%arg8 : memref<128x128xf32, #tpu.memory_space<vmem>>)
      tpu.yield
    }) : () -> ()
    %mul3A_1 = arith.constant 632 : i32
    %mul3A_2 = arith.muli %arg1, %mul3A_1 : i32
    "tpu.region"() ({
      %run_scoped3A = tpu.sem_alloc : memref<!tpu.dma_semaphore, #tpu.memory_space<semaphore_mem>>
      %dma_start3A = arith.constant 0 : i32
      %dma_start3A_13 = tpu.memref_slice %arg9[%mul3A_2, %dma_start3A] : memref<10112x128xf32, #tpu.memory_space<vmem_shared>> -> memref<632x128xf32, #tpu.memory_space<vmem_shared>>
      tpu.enqueue_dma source(%arg3 : memref<632x128xf32, #tpu.memory_space<hbm>>) target(%dma_start3A_13 : memref<632x128xf32, #tpu.memory_space<vmem_shared>>) target_semaphore(%run_scoped3A : memref<!tpu.dma_semaphore, #tpu.memory_space<semaphore_mem>>)
      %dma_wait3A = arith.constant 0 : i32
      %dma_wait3A_14 = tpu.memref_slice %arg9[%mul3A_2, %dma_wait3A] : memref<10112x128xf32, #tpu.memory_space<vmem_shared>> -> memref<632x128xf32, #tpu.memory_space<vmem_shared>>
      tpu.wait_dma2 semaphore(%run_scoped3A : memref<!tpu.dma_semaphore, #tpu.memory_space<semaphore_mem>>) src(%arg3 : memref<632x128xf32, #tpu.memory_space<hbm>>) dst(%dma_wait3A_14 : memref<632x128xf32, #tpu.memory_space<vmem_shared>>)
      tpu.yield
    }) : () -> ()
    %barrier3A = arith.constant 0 : index
    tpu.barrier barrier_id(%barrier3A)
    %scan3A = arith.constant 0 : i32
    %scan3A_3 = arith.constant 0 : i32
    %scan3A_4 = arith.constant 80 : i32
    %scan3A_5 = arith.addi %scan3A_3, %scan3A_4 : i32
    %scan3A_6 = arith.constant 1 : i32
    scf.for %scan3A_13 = %scan3A_3 to %scan3A_5 step %scan3A_6  : i32 {
      %get3A = arith.index_cast %scan3A_13 : i32 to index
      %get3A_14 = arith.constant 0 : index
      %get3A_15 = tpu.vector_load %arg6[%get3A, %get3A_14] {strides = array<i32>} : memref<80x128xi32, #tpu.memory_space<vmem>>, vector<1x16xi32>,
      %get3A_16 = vector.shape_cast %get3A_15 : vector<1x16xi32> to vector<16xi32>
      %and3A = arith.constant 16383 : i32
      %and3A_17 = vector.broadcast %and3A : i32 to vector<16xi32>
      %and3A_18 = arith.andi %get3A_16, %and3A_17 : vector<16xi32>
      %swap3A = arith.constant 0 : i32
      %swap3A_19 = arith.index_cast %swap3A : i32 to index
      %swap3A_20 = arith.constant 0 : index
      %swap3A_21 = tpu.vector_load %arg7[%swap3A_19, %swap3A_20] {strides = array<i32>} : memref<1x128xi32, #tpu.memory_space<vmem>>, vector<1x16xi32>,
      %swap3A_22 = vector.shape_cast %swap3A_21 : vector<1x16xi32> to vector<16xi32>
      %swap3A_23 = vector.shape_cast %and3A_18 : vector<16xi32> to vector<1x16xi32>
      tpu.vector_store %arg7[%swap3A_19, %swap3A_20], %swap3A_23 {strides = array<i32>} : memref<1x128xi32, #tpu.memory_space<vmem>>, vector<1x16xi32>,
      %get3A_24 = arith.index_cast %scan3A_13 : i32 to index
      %get3A_25 = arith.constant 16 : index
      %get3A_26 = tpu.vector_load %arg6[%get3A_24, %get3A_25] {strides = array<i32>} : memref<80x128xi32, #tpu.memory_space<vmem>>, vector<1x16xi32>,
      %get3A_27 = vector.shape_cast %get3A_26 : vector<1x16xi32> to vector<16xi32>
      %and3A_28 = arith.constant 16383 : i32
      %and3A_29 = vector.broadcast %and3A_28 : i32 to vector<16xi32>
      %and3A_30 = arith.andi %get3A_27, %and3A_29 : vector<16xi32>
      %swap3A_31 = arith.constant 0 : i32
      %swap3A_32 = arith.index_cast %swap3A_31 : i32 to index
      %swap3A_33 = arith.constant 16 : index
      %swap3A_34 = tpu.vector_load %arg7[%swap3A_32, %swap3A_33] {strides = array<i32>} : memref<1x128xi32, #tpu.memory_space<vmem>>, vector<1x16xi32>,
      %swap3A_35 = vector.shape_cast %swap3A_34 : vector<1x16xi32> to vector<16xi32>
      %swap3A_36 = vector.shape_cast %and3A_30 : vector<16xi32> to vector<1x16xi32>
      tpu.vector_store %arg7[%swap3A_32, %swap3A_33], %swap3A_36 {strides = array<i32>} : memref<1x128xi32, #tpu.memory_space<vmem>>, vector<1x16xi32>,
      %get3A_37 = arith.index_cast %scan3A_13 : i32 to index
      %get3A_38 = arith.constant 32 : index
      %get3A_39 = tpu.vector_load %arg6[%get3A_37, %get3A_38] {strides = array<i32>} : memref<80x128xi32, #tpu.memory_space<vmem>>, vector<1x16xi32>,
      %get3A_40 = vector.shape_cast %get3A_39 : vector<1x16xi32> to vector<16xi32>
      %and3A_41 = arith.constant 16383 : i32
      %and3A_42 = vector.broadcast %and3A_41 : i32 to vector<16xi32>
      %and3A_43 = arith.andi %get3A_40, %and3A_42 : vector<16xi32>
      %swap3A_44 = arith.constant 0 : i32
      %swap3A_45 = arith.index_cast %swap3A_44 : i32 to index
      %swap3A_46 = arith.constant 32 : index
      %swap3A_47 = tpu.vector_load %arg7[%swap3A_45, %swap3A_46] {strides = array<i32>} : memref<1x128xi32, #tpu.memory_space<vmem>>, vector<1x16xi32>,
      %swap3A_48 = vector.shape_cast %swap3A_47 : vector<1x16xi32> to vector<16xi32>
      %swap3A_49 = vector.shape_cast %and3A_43 : vector<16xi32> to vector<1x16xi32>
      tpu.vector_store %arg7[%swap3A_45, %swap3A_46], %swap3A_49 {strides = array<i32>} : memref<1x128xi32, #tpu.memory_space<vmem>>, vector<1x16xi32>,
      %get3A_50 = arith.index_cast %scan3A_13 : i32 to index
      %get3A_51 = arith.constant 48 : index
      %get3A_52 = tpu.vector_load %arg6[%get3A_50, %get3A_51] {strides = array<i32>} : memref<80x128xi32, #tpu.memory_space<vmem>>, vector<1x16xi32>,
      %get3A_53 = vector.shape_cast %get3A_52 : vector<1x16xi32> to vector<16xi32>
      %and3A_54 = arith.constant 16383 : i32
      %and3A_55 = vector.broadcast %and3A_54 : i32 to vector<16xi32>
      %and3A_56 = arith.andi %get3A_53, %and3A_55 : vector<16xi32>
      %swap3A_57 = arith.constant 0 : i32
      %swap3A_58 = arith.index_cast %swap3A_57 : i32 to index
      %swap3A_59 = arith.constant 48 : index
      %swap3A_60 = tpu.vector_load %arg7[%swap3A_58, %swap3A_59] {strides = array<i32>} : memref<1x128xi32, #tpu.memory_space<vmem>>, vector<1x16xi32>,
      %swap3A_61 = vector.shape_cast %swap3A_60 : vector<1x16xi32> to vector<16xi32>
      %swap3A_62 = vector.shape_cast %and3A_56 : vector<16xi32> to vector<1x16xi32>
      tpu.vector_store %arg7[%swap3A_58, %swap3A_59], %swap3A_62 {strides = array<i32>} : memref<1x128xi32, #tpu.memory_space<vmem>>, vector<1x16xi32>,
      %get3A_63 = arith.index_cast %scan3A_13 : i32 to index
      %get3A_64 = arith.constant 64 : index
      %get3A_65 = tpu.vector_load %arg6[%get3A_63, %get3A_64] {strides = array<i32>} : memref<80x128xi32, #tpu.memory_space<vmem>>, vector<1x16xi32>,
      %get3A_66 = vector.shape_cast %get3A_65 : vector<1x16xi32> to vector<16xi32>
      %and3A_67 = arith.constant 16383 : i32
      %and3A_68 = vector.broadcast %and3A_67 : i32 to vector<16xi32>
      %and3A_69 = arith.andi %get3A_66, %and3A_68 : vector<16xi32>
      %swap3A_70 = arith.constant 0 : i32
      %swap3A_71 = arith.index_cast %swap3A_70 : i32 to index
      %swap3A_72 = arith.constant 64 : index
      %swap3A_73 = tpu.vector_load %arg7[%swap3A_71, %swap3A_72] {strides = array<i32>} : memref<1x128xi32, #tpu.memory_space<vmem>>, vector<1x16xi32>,
      %swap3A_74 = vector.shape_cast %swap3A_73 : vector<1x16xi32> to vector<16xi32>
      %swap3A_75 = vector.shape_cast %and3A_69 : vector<16xi32> to vector<1x16xi32>
      tpu.vector_store %arg7[%swap3A_71, %swap3A_72], %swap3A_75 {strides = array<i32>} : memref<1x128xi32, #tpu.memory_space<vmem>>, vector<1x16xi32>,
      %get3A_76 = arith.index_cast %scan3A_13 : i32 to index
      %get3A_77 = arith.constant 80 : index
      %get3A_78 = tpu.vector_load %arg6[%get3A_76, %get3A_77] {strides = array<i32>} : memref<80x128xi32, #tpu.memory_space<vmem>>, vector<1x16xi32>,
      %get3A_79 = vector.shape_cast %get3A_78 : vector<1x16xi32> to vector<16xi32>
      %and3A_80 = arith.constant 16383 : i32
      %and3A_81 = vector.broadcast %and3A_80 : i32 to vector<16xi32>
      %and3A_82 = arith.andi %get3A_79, %and3A_81 : vector<16xi32>
      %swap3A_83 = arith.constant 0 : i32
      %swap3A_84 = arith.index_cast %swap3A_83 : i32 to index
      %swap3A_85 = arith.constant 80 : index
      %swap3A_86 = tpu.vector_load %arg7[%swap3A_84, %swap3A_85] {strides = array<i32>} : memref<1x128xi32, #tpu.memory_space<vmem>>, vector<1x16xi32>,
      %swap3A_87 = vector.shape_cast %swap3A_86 : vector<1x16xi32> to vector<16xi32>
      %swap3A_88 = vector.shape_cast %and3A_82 : vector<16xi32> to vector<1x16xi32>
      tpu.vector_store %arg7[%swap3A_84, %swap3A_85], %swap3A_88 {strides = array<i32>} : memref<1x128xi32, #tpu.memory_space<vmem>>, vector<1x16xi32>,
      %get3A_89 = arith.index_cast %scan3A_13 : i32 to index
      %get3A_90 = arith.constant 96 : index
      %get3A_91 = tpu.vector_load %arg6[%get3A_89, %get3A_90] {strides = array<i32>} : memref<80x128xi32, #tpu.memory_space<vmem>>, vector<1x16xi32>,
      %get3A_92 = vector.shape_cast %get3A_91 : vector<1x16xi32> to vector<16xi32>
      %and3A_93 = arith.constant 16383 : i32
      %and3A_94 = vector.broadcast %and3A_93 : i32 to vector<16xi32>
      %and3A_95 = arith.andi %get3A_92, %and3A_94 : vector<16xi32>
      %swap3A_96 = arith.constant 0 : i32
      %swap3A_97 = arith.index_cast %swap3A_96 : i32 to index
      %swap3A_98 = arith.constant 96 : index
      %swap3A_99 = tpu.vector_load %arg7[%swap3A_97, %swap3A_98] {strides = array<i32>} : memref<1x128xi32, #tpu.memory_space<vmem>>, vector<1x16xi32>,
      %swap3A_100 = vector.shape_cast %swap3A_99 : vector<1x16xi32> to vector<16xi32>
      %swap3A_101 = vector.shape_cast %and3A_95 : vector<16xi32> to vector<1x16xi32>
      tpu.vector_store %arg7[%swap3A_97, %swap3A_98], %swap3A_101 {strides = array<i32>} : memref<1x128xi32, #tpu.memory_space<vmem>>, vector<1x16xi32>,
      %get3A_102 = arith.index_cast %scan3A_13 : i32 to index
      %get3A_103 = arith.constant 112 : index
      %get3A_104 = tpu.vector_load %arg6[%get3A_102, %get3A_103] {strides = array<i32>} : memref<80x128xi32, #tpu.memory_space<vmem>>, vector<1x16xi32>,
      %get3A_105 = vector.shape_cast %get3A_104 : vector<1x16xi32> to vector<16xi32>
      %and3A_106 = arith.constant 16383 : i32
      %and3A_107 = vector.broadcast %and3A_106 : i32 to vector<16xi32>
      %and3A_108 = arith.andi %get3A_105, %and3A_107 : vector<16xi32>
      %swap3A_109 = arith.constant 0 : i32
      %swap3A_110 = arith.index_cast %swap3A_109 : i32 to index
      %swap3A_111 = arith.constant 112 : index
      %swap3A_112 = tpu.vector_load %arg7[%swap3A_110, %swap3A_111] {strides = array<i32>} : memref<1x128xi32, #tpu.memory_space<vmem>>, vector<1x16xi32>,
      %swap3A_113 = vector.shape_cast %swap3A_112 : vector<1x16xi32> to vector<16xi32>
      %swap3A_114 = vector.shape_cast %and3A_108 : vector<16xi32> to vector<1x16xi32>
      tpu.vector_store %arg7[%swap3A_110, %swap3A_111], %swap3A_114 {strides = array<i32>} : memref<1x128xi32, #tpu.memory_space<vmem>>, vector<1x16xi32>,
      %run_scoped3A = arith.constant 0 : i32
      "tpu.region"() ({
        %run_scoped3A_115 = tpu.sem_alloc : memref<!tpu.dma_semaphore, #tpu.memory_space<semaphore_mem>>
        %dma_start3A = arith.constant 0 : i32
        %dma_start3A_116 = tpu.memref_slice %arg7[%run_scoped3A, %dma_start3A] : memref<1x128xi32, #tpu.memory_space<vmem>> -> memref<1x128xi32, #tpu.memory_space<vmem>>
        %dma_start3A_117 = tpu.memref_squeeze %dma_start3A_116 : memref<1x128xi32, #tpu.memory_space<vmem>> -> memref<128xi32, #tpu.memory_space<vmem>>
        %dma_start3A_118 = arith.constant 0 : i32
        %dma_start3A_119 = arith.constant 0 : i32
        %dma_start3A_120 = tpu.memref_slice %arg9[%dma_start3A_118, %dma_start3A_119] : memref<10112x128xf32, #tpu.memory_space<vmem_shared>> -> memref<10112x128xf32, #tpu.memory_space<vmem_shared>>
        tpu.enqueue_indirect_dma source(%arg8 : memref<128x128xf32, #tpu.memory_space<vmem>>) target(%dma_start3A_120 : memref<10112x128xf32, #tpu.memory_space<vmem_shared>>) offsets(%dma_start3A_117 : memref<128xi32, #tpu.memory_space<vmem>>) semaphore(%run_scoped3A_115 : memref<!tpu.dma_semaphore, #tpu.memory_space<semaphore_mem>>) {add = true}
        %dma_wait3A = arith.constant 0 : i32
        %dma_wait3A_121 = tpu.memref_slice %arg7[%run_scoped3A, %dma_wait3A] : memref<1x128xi32, #tpu.memory_space<vmem>> -> memref<1x128xi32, #tpu.memory_space<vmem>>
        %dma_wait3A_122 = tpu.memref_squeeze %dma_wait3A_121 : memref<1x128xi32, #tpu.memory_space<vmem>> -> memref<128xi32, #tpu.memory_space<vmem>>
        %dma_wait3A_123 = arith.constant 0 : i32
        %dma_wait3A_124 = arith.constant 0 : i32
        %dma_wait3A_125 = tpu.memref_slice %arg9[%dma_wait3A_123, %dma_wait3A_124] : memref<10112x128xf32, #tpu.memory_space<vmem_shared>> -> memref<10112x128xf32, #tpu.memory_space<vmem_shared>>
        tpu.wait_indirect_dma semaphore(%run_scoped3A_115 : memref<!tpu.dma_semaphore, #tpu.memory_space<semaphore_mem>>) src(%arg8 : memref<128x128xf32, #tpu.memory_space<vmem>>) dst(%dma_wait3A_125 : memref<10112x128xf32, #tpu.memory_space<vmem_shared>>)
        tpu.yield
      }) : () -> ()
    }
    %scan3A_7 = arith.constant 80 : i32
    %barrier3A_8 = arith.constant 0 : index
    tpu.barrier barrier_id(%barrier3A_8)
    %mul3A_9 = arith.constant 632 : i32
    %mul3A_10 = arith.muli %arg1, %mul3A_9 : i32
    %mul3A_11 = arith.constant 632 : i32
    %mul3A_12 = arith.muli %arg1, %mul3A_11 : i32
    "tpu.region"() ({
      %run_scoped3A = tpu.sem_alloc : memref<!tpu.dma_semaphore, #tpu.memory_space<semaphore_mem>>
      %dma_start3A = arith.constant 0 : i32
      %dma_start3A_13 = tpu.memref_slice %arg5[%arg0, %mul3A_12, %dma_start3A] : memref<2x10112x128xf32, #tpu.memory_space<hbm>> -> memref<1x632x128xf32, #tpu.memory_space<hbm>>
      %dma_start3A_14 = tpu.memref_squeeze %dma_start3A_13 : memref<1x632x128xf32, #tpu.memory_space<hbm>> -> memref<632x128xf32, #tpu.memory_space<hbm>>
      %dma_start3A_15 = arith.constant 0 : i32
      %dma_start3A_16 = tpu.memref_slice %arg9[%mul3A_10, %dma_start3A_15] : memref<10112x128xf32, #tpu.memory_space<vmem_shared>> -> memref<632x128xf32, #tpu.memory_space<vmem_shared>>
      tpu.enqueue_dma source(%dma_start3A_16 : memref<632x128xf32, #tpu.memory_space<vmem_shared>>) target(%dma_start3A_14 : memref<632x128xf32, #tpu.memory_space<hbm>>) target_semaphore(%run_scoped3A : memref<!tpu.dma_semaphore, #tpu.memory_space<semaphore_mem>>)
      %dma_wait3A = arith.constant 0 : i32
      %dma_wait3A_17 = tpu.memref_slice %arg5[%arg0, %mul3A_12, %dma_wait3A] : memref<2x10112x128xf32, #tpu.memory_space<hbm>> -> memref<1x632x128xf32, #tpu.memory_space<hbm>>
      %dma_wait3A_18 = tpu.memref_squeeze %dma_wait3A_17 : memref<1x632x128xf32, #tpu.memory_space<hbm>> -> memref<632x128xf32, #tpu.memory_space<hbm>>
      %dma_wait3A_19 = arith.constant 0 : i32
      %dma_wait3A_20 = tpu.memref_slice %arg9[%mul3A_10, %dma_wait3A_19] : memref<10112x128xf32, #tpu.memory_space<vmem_shared>> -> memref<632x128xf32, #tpu.memory_space<vmem_shared>>
      tpu.wait_dma2 semaphore(%run_scoped3A : memref<!tpu.dma_semaphore, #tpu.memory_space<semaphore_mem>>) src(%dma_wait3A_20 : memref<632x128xf32, #tpu.memory_space<vmem_shared>>) dst(%dma_wait3A_18 : memref<632x128xf32, #tpu.memory_space<hbm>>)
      tpu.yield
    }) : () -> ()
    return
  }
}

#map = affine_map<(d0, d1) -> (0, 0)>
#map1 = affine_map<(d0, d1) -> (0, 0, 0)>
module attributes {stable_mosaic.version = 14 : i64} {
  func.func @_sc_features(%arg0: i32, %arg1: i32, %arg2: memref<10000x128xf32, #tpu.memory_space<hbm>>, %arg3: memref<32x80x128xi32, #tpu.memory_space<hbm>>, %arg4: memref<632x128xf32, #tpu.memory_space<hbm>>, %arg5: memref<2x10112x128xf32, #tpu.memory_space<hbm>>, %arg6: memref<80x128xi32, #tpu.memory_space<vmem>>, %arg7: memref<2x128xi32, #tpu.memory_space<vmem>>, %arg8: memref<2x128xi32, #tpu.memory_space<vmem>>, %arg9: memref<128x128xf32, #tpu.memory_space<vmem>>, %arg10: memref<128x128xf32, #tpu.memory_space<vmem>>, %arg11: memref<10112x128xf32, #tpu.memory_space<vmem_shared>>, %arg12: memref<!tpu.dma_semaphore, #tpu.memory_space<semaphore_mem>>, %arg13: memref<!tpu.dma_semaphore, #tpu.memory_space<semaphore_mem>>) attributes {dimension_semantics = [#tpu.dimension_semantics<core_parallel>, #tpu.dimension_semantics<subcore_parallel>], iteration_bounds = array<i64: 2, 16>, scalar_prefetch = 0 : i64, scratch_operands = 8 : i64, tpu.core_type = #tpu.core_type<sc_vector_subcore>, window_params = [{transform_indices = #map}, {transform_indices = #map1}, {transform_indices = #map}, {transform_indices = #map1}]} {
    %mul3A = arith.constant 16 : i32
    %mul3A_0 = arith.muli %arg0, %mul3A : i32
    %add3A = arith.addi %mul3A_0, %arg1 : i32
    "tpu.region"() ({
      %run_scoped3A = tpu.sem_alloc : memref<!tpu.dma_semaphore, #tpu.memory_space<semaphore_mem>>
      %dma_start3A_199 = arith.constant 0 : i32
      %dma_start3A_200 = arith.constant 0 : i32
      %dma_start3A_201 = tpu.memref_slice %arg3[%add3A, %dma_start3A_199, %dma_start3A_200] : memref<32x80x128xi32, #tpu.memory_space<hbm>> -> memref<1x80x128xi32, #tpu.memory_space<hbm>>
      %dma_start3A_202 = tpu.memref_squeeze %dma_start3A_201 : memref<1x80x128xi32, #tpu.memory_space<hbm>> -> memref<80x128xi32, #tpu.memory_space<hbm>>
      %dma_start3A_203 = arith.constant 0 : i32
      %dma_start3A_204 = arith.constant 0 : i32
      %dma_start3A_205 = tpu.memref_slice %arg3[%add3A, %dma_start3A_203, %dma_start3A_204] : memref<32x80x128xi32, #tpu.memory_space<hbm>> -> memref<1x80x128xi32, #tpu.memory_space<hbm>>
      %dma_start3A_206 = tpu.memref_squeeze %dma_start3A_205 : memref<1x80x128xi32, #tpu.memory_space<hbm>> -> memref<80x128xi32, #tpu.memory_space<hbm>>
      tpu.enqueue_dma source(%dma_start3A_206 : memref<80x128xi32, #tpu.memory_space<hbm>>) target(%arg6 : memref<80x128xi32, #tpu.memory_space<vmem>>) target_semaphore(%run_scoped3A : memref<!tpu.dma_semaphore, #tpu.memory_space<semaphore_mem>>)
      %dma_wait3A = arith.constant 0 : i32
      %dma_wait3A_207 = arith.constant 0 : i32
      %dma_wait3A_208 = tpu.memref_slice %arg3[%add3A, %dma_wait3A, %dma_wait3A_207] : memref<32x80x128xi32, #tpu.memory_space<hbm>> -> memref<1x80x128xi32, #tpu.memory_space<hbm>>
      %dma_wait3A_209 = tpu.memref_squeeze %dma_wait3A_208 : memref<1x80x128xi32, #tpu.memory_space<hbm>> -> memref<80x128xi32, #tpu.memory_space<hbm>>
      %dma_wait3A_210 = arith.constant 0 : i32
      %dma_wait3A_211 = arith.constant 0 : i32
      %dma_wait3A_212 = tpu.memref_slice %arg3[%add3A, %dma_wait3A_210, %dma_wait3A_211] : memref<32x80x128xi32, #tpu.memory_space<hbm>> -> memref<1x80x128xi32, #tpu.memory_space<hbm>>
      %dma_wait3A_213 = tpu.memref_squeeze %dma_wait3A_212 : memref<1x80x128xi32, #tpu.memory_space<hbm>> -> memref<80x128xi32, #tpu.memory_space<hbm>>
      tpu.wait_dma2 semaphore(%run_scoped3A : memref<!tpu.dma_semaphore, #tpu.memory_space<semaphore_mem>>) src(%dma_wait3A_213 : memref<80x128xi32, #tpu.memory_space<hbm>>) dst(%arg6 : memref<80x128xi32, #tpu.memory_space<vmem>>)
      tpu.yield
    }) : () -> ()
    %mul3A_1 = arith.constant 632 : i32
    %mul3A_2 = arith.muli %arg1, %mul3A_1 : i32
    "tpu.region"() ({
      %run_scoped3A = tpu.sem_alloc : memref<!tpu.dma_semaphore, #tpu.memory_space<semaphore_mem>>
      %dma_start3A_199 = arith.constant 0 : i32
      %dma_start3A_200 = tpu.memref_slice %arg11[%mul3A_2, %dma_start3A_199] : memref<10112x128xf32, #tpu.memory_space<vmem_shared>> -> memref<632x128xf32, #tpu.memory_space<vmem_shared>>
      tpu.enqueue_dma source(%arg4 : memref<632x128xf32, #tpu.memory_space<hbm>>) target(%dma_start3A_200 : memref<632x128xf32, #tpu.memory_space<vmem_shared>>) target_semaphore(%run_scoped3A : memref<!tpu.dma_semaphore, #tpu.memory_space<semaphore_mem>>)
      %dma_wait3A = arith.constant 0 : i32
      %dma_wait3A_201 = tpu.memref_slice %arg11[%mul3A_2, %dma_wait3A] : memref<10112x128xf32, #tpu.memory_space<vmem_shared>> -> memref<632x128xf32, #tpu.memory_space<vmem_shared>>
      tpu.wait_dma2 semaphore(%run_scoped3A : memref<!tpu.dma_semaphore, #tpu.memory_space<semaphore_mem>>) src(%arg4 : memref<632x128xf32, #tpu.memory_space<hbm>>) dst(%dma_wait3A_201 : memref<632x128xf32, #tpu.memory_space<vmem_shared>>)
      tpu.yield
    }) : () -> ()
    %barrier3A = arith.constant 0 : index
    tpu.barrier barrier_id(%barrier3A)
    %get3A = arith.constant 0 : i32
    %get3A_3 = arith.index_cast %get3A : i32 to index
    %get3A_4 = arith.constant 0 : index
    %get3A_5 = tpu.vector_load %arg6[%get3A_3, %get3A_4] {strides = array<i32>} : memref<80x128xi32, #tpu.memory_space<vmem>>, vector<1x16xi32>,
    %get3A_6 = vector.shape_cast %get3A_5 : vector<1x16xi32> to vector<16xi32>
    %shift_right_logical3A = arith.constant 14 : i32
    %shift_right_logical3A_7 = vector.broadcast %shift_right_logical3A : i32 to vector<16xi32>
    %shift_right_logical3A_8 = arith.shrui %get3A_6, %shift_right_logical3A_7 : vector<16xi32>
    %swap3A = arith.constant 0 : i32
    %swap3A_9 = arith.index_cast %swap3A : i32 to index
    %swap3A_10 = arith.constant 0 : index
    %swap3A_11 = tpu.vector_load %arg7[%swap3A_9, %swap3A_10] {strides = array<i32>} : memref<2x128xi32, #tpu.memory_space<vmem>>, vector<1x16xi32>,
    %swap3A_12 = vector.shape_cast %swap3A_11 : vector<1x16xi32> to vector<16xi32>
    %swap3A_13 = vector.shape_cast %shift_right_logical3A_8 : vector<16xi32> to vector<1x16xi32>
    tpu.vector_store %arg7[%swap3A_9, %swap3A_10], %swap3A_13 {strides = array<i32>} : memref<2x128xi32, #tpu.memory_space<vmem>>, vector<1x16xi32>,
    %and3A = arith.constant 16383 : i32
    %and3A_14 = vector.broadcast %and3A : i32 to vector<16xi32>
    %and3A_15 = arith.andi %get3A_6, %and3A_14 : vector<16xi32>
    %swap3A_16 = arith.constant 0 : i32
    %swap3A_17 = arith.index_cast %swap3A_16 : i32 to index
    %swap3A_18 = arith.constant 0 : index
    %swap3A_19 = tpu.vector_load %arg8[%swap3A_17, %swap3A_18] {strides = array<i32>} : memref<2x128xi32, #tpu.memory_space<vmem>>, vector<1x16xi32>,
    %swap3A_20 = vector.shape_cast %swap3A_19 : vector<1x16xi32> to vector<16xi32>
    %swap3A_21 = vector.shape_cast %and3A_15 : vector<16xi32> to vector<1x16xi32>
    tpu.vector_store %arg8[%swap3A_17, %swap3A_18], %swap3A_21 {strides = array<i32>} : memref<2x128xi32, #tpu.memory_space<vmem>>, vector<1x16xi32>,
    %get3A_22 = arith.constant 0 : i32
    %get3A_23 = arith.index_cast %get3A_22 : i32 to index
    %get3A_24 = arith.constant 16 : index
    %get3A_25 = tpu.vector_load %arg6[%get3A_23, %get3A_24] {strides = array<i32>} : memref<80x128xi32, #tpu.memory_space<vmem>>, vector<1x16xi32>,
    %get3A_26 = vector.shape_cast %get3A_25 : vector<1x16xi32> to vector<16xi32>
    %shift_right_logical3A_27 = arith.constant 14 : i32
    %shift_right_logical3A_28 = vector.broadcast %shift_right_logical3A_27 : i32 to vector<16xi32>
    %shift_right_logical3A_29 = arith.shrui %get3A_26, %shift_right_logical3A_28 : vector<16xi32>
    %swap3A_30 = arith.constant 0 : i32
    %swap3A_31 = arith.index_cast %swap3A_30 : i32 to index
    %swap3A_32 = arith.constant 16 : index
    %swap3A_33 = tpu.vector_load %arg7[%swap3A_31, %swap3A_32] {strides = array<i32>} : memref<2x128xi32, #tpu.memory_space<vmem>>, vector<1x16xi32>,
    %swap3A_34 = vector.shape_cast %swap3A_33 : vector<1x16xi32> to vector<16xi32>
    %swap3A_35 = vector.shape_cast %shift_right_logical3A_29 : vector<16xi32> to vector<1x16xi32>
    tpu.vector_store %arg7[%swap3A_31, %swap3A_32], %swap3A_35 {strides = array<i32>} : memref<2x128xi32, #tpu.memory_space<vmem>>, vector<1x16xi32>,
    %and3A_36 = arith.constant 16383 : i32
    %and3A_37 = vector.broadcast %and3A_36 : i32 to vector<16xi32>
    %and3A_38 = arith.andi %get3A_26, %and3A_37 : vector<16xi32>
    %swap3A_39 = arith.constant 0 : i32
    %swap3A_40 = arith.index_cast %swap3A_39 : i32 to index
    %swap3A_41 = arith.constant 16 : index
    %swap3A_42 = tpu.vector_load %arg8[%swap3A_40, %swap3A_41] {strides = array<i32>} : memref<2x128xi32, #tpu.memory_space<vmem>>, vector<1x16xi32>,
    %swap3A_43 = vector.shape_cast %swap3A_42 : vector<1x16xi32> to vector<16xi32>
    %swap3A_44 = vector.shape_cast %and3A_38 : vector<16xi32> to vector<1x16xi32>
    tpu.vector_store %arg8[%swap3A_40, %swap3A_41], %swap3A_44 {strides = array<i32>} : memref<2x128xi32, #tpu.memory_space<vmem>>, vector<1x16xi32>,
    %get3A_45 = arith.constant 0 : i32
    %get3A_46 = arith.index_cast %get3A_45 : i32 to index
    %get3A_47 = arith.constant 32 : index
    %get3A_48 = tpu.vector_load %arg6[%get3A_46, %get3A_47] {strides = array<i32>} : memref<80x128xi32, #tpu.memory_space<vmem>>, vector<1x16xi32>,
    %get3A_49 = vector.shape_cast %get3A_48 : vector<1x16xi32> to vector<16xi32>
    %shift_right_logical3A_50 = arith.constant 14 : i32
    %shift_right_logical3A_51 = vector.broadcast %shift_right_logical3A_50 : i32 to vector<16xi32>
    %shift_right_logical3A_52 = arith.shrui %get3A_49, %shift_right_logical3A_51 : vector<16xi32>
    %swap3A_53 = arith.constant 0 : i32
    %swap3A_54 = arith.index_cast %swap3A_53 : i32 to index
    %swap3A_55 = arith.constant 32 : index
    %swap3A_56 = tpu.vector_load %arg7[%swap3A_54, %swap3A_55] {strides = array<i32>} : memref<2x128xi32, #tpu.memory_space<vmem>>, vector<1x16xi32>,
    %swap3A_57 = vector.shape_cast %swap3A_56 : vector<1x16xi32> to vector<16xi32>
    %swap3A_58 = vector.shape_cast %shift_right_logical3A_52 : vector<16xi32> to vector<1x16xi32>
    tpu.vector_store %arg7[%swap3A_54, %swap3A_55], %swap3A_58 {strides = array<i32>} : memref<2x128xi32, #tpu.memory_space<vmem>>, vector<1x16xi32>,
    %and3A_59 = arith.constant 16383 : i32
    %and3A_60 = vector.broadcast %and3A_59 : i32 to vector<16xi32>
    %and3A_61 = arith.andi %get3A_49, %and3A_60 : vector<16xi32>
    %swap3A_62 = arith.constant 0 : i32
    %swap3A_63 = arith.index_cast %swap3A_62 : i32 to index
    %swap3A_64 = arith.constant 32 : index
    %swap3A_65 = tpu.vector_load %arg8[%swap3A_63, %swap3A_64] {strides = array<i32>} : memref<2x128xi32, #tpu.memory_space<vmem>>, vector<1x16xi32>,
    %swap3A_66 = vector.shape_cast %swap3A_65 : vector<1x16xi32> to vector<16xi32>
    %swap3A_67 = vector.shape_cast %and3A_61 : vector<16xi32> to vector<1x16xi32>
    tpu.vector_store %arg8[%swap3A_63, %swap3A_64], %swap3A_67 {strides = array<i32>} : memref<2x128xi32, #tpu.memory_space<vmem>>, vector<1x16xi32>,
    %get3A_68 = arith.constant 0 : i32
    %get3A_69 = arith.index_cast %get3A_68 : i32 to index
    %get3A_70 = arith.constant 48 : index
    %get3A_71 = tpu.vector_load %arg6[%get3A_69, %get3A_70] {strides = array<i32>} : memref<80x128xi32, #tpu.memory_space<vmem>>, vector<1x16xi32>,
    %get3A_72 = vector.shape_cast %get3A_71 : vector<1x16xi32> to vector<16xi32>
    %shift_right_logical3A_73 = arith.constant 14 : i32
    %shift_right_logical3A_74 = vector.broadcast %shift_right_logical3A_73 : i32 to vector<16xi32>
    %shift_right_logical3A_75 = arith.shrui %get3A_72, %shift_right_logical3A_74 : vector<16xi32>
    %swap3A_76 = arith.constant 0 : i32
    %swap3A_77 = arith.index_cast %swap3A_76 : i32 to index
    %swap3A_78 = arith.constant 48 : index
    %swap3A_79 = tpu.vector_load %arg7[%swap3A_77, %swap3A_78] {strides = array<i32>} : memref<2x128xi32, #tpu.memory_space<vmem>>, vector<1x16xi32>,
    %swap3A_80 = vector.shape_cast %swap3A_79 : vector<1x16xi32> to vector<16xi32>
    %swap3A_81 = vector.shape_cast %shift_right_logical3A_75 : vector<16xi32> to vector<1x16xi32>
    tpu.vector_store %arg7[%swap3A_77, %swap3A_78], %swap3A_81 {strides = array<i32>} : memref<2x128xi32, #tpu.memory_space<vmem>>, vector<1x16xi32>,
    %and3A_82 = arith.constant 16383 : i32
    %and3A_83 = vector.broadcast %and3A_82 : i32 to vector<16xi32>
    %and3A_84 = arith.andi %get3A_72, %and3A_83 : vector<16xi32>
    %swap3A_85 = arith.constant 0 : i32
    %swap3A_86 = arith.index_cast %swap3A_85 : i32 to index
    %swap3A_87 = arith.constant 48 : index
    %swap3A_88 = tpu.vector_load %arg8[%swap3A_86, %swap3A_87] {strides = array<i32>} : memref<2x128xi32, #tpu.memory_space<vmem>>, vector<1x16xi32>,
    %swap3A_89 = vector.shape_cast %swap3A_88 : vector<1x16xi32> to vector<16xi32>
    %swap3A_90 = vector.shape_cast %and3A_84 : vector<16xi32> to vector<1x16xi32>
    tpu.vector_store %arg8[%swap3A_86, %swap3A_87], %swap3A_90 {strides = array<i32>} : memref<2x128xi32, #tpu.memory_space<vmem>>, vector<1x16xi32>,
    %get3A_91 = arith.constant 0 : i32
    %get3A_92 = arith.index_cast %get3A_91 : i32 to index
    %get3A_93 = arith.constant 64 : index
    %get3A_94 = tpu.vector_load %arg6[%get3A_92, %get3A_93] {strides = array<i32>} : memref<80x128xi32, #tpu.memory_space<vmem>>, vector<1x16xi32>,
    %get3A_95 = vector.shape_cast %get3A_94 : vector<1x16xi32> to vector<16xi32>
    %shift_right_logical3A_96 = arith.constant 14 : i32
    %shift_right_logical3A_97 = vector.broadcast %shift_right_logical3A_96 : i32 to vector<16xi32>
    %shift_right_logical3A_98 = arith.shrui %get3A_95, %shift_right_logical3A_97 : vector<16xi32>
    %swap3A_99 = arith.constant 0 : i32
    %swap3A_100 = arith.index_cast %swap3A_99 : i32 to index
    %swap3A_101 = arith.constant 64 : index
    %swap3A_102 = tpu.vector_load %arg7[%swap3A_100, %swap3A_101] {strides = array<i32>} : memref<2x128xi32, #tpu.memory_space<vmem>>, vector<1x16xi32>,
    %swap3A_103 = vector.shape_cast %swap3A_102 : vector<1x16xi32> to vector<16xi32>
    %swap3A_104 = vector.shape_cast %shift_right_logical3A_98 : vector<16xi32> to vector<1x16xi32>
    tpu.vector_store %arg7[%swap3A_100, %swap3A_101], %swap3A_104 {strides = array<i32>} : memref<2x128xi32, #tpu.memory_space<vmem>>, vector<1x16xi32>,
    %and3A_105 = arith.constant 16383 : i32
    %and3A_106 = vector.broadcast %and3A_105 : i32 to vector<16xi32>
    %and3A_107 = arith.andi %get3A_95, %and3A_106 : vector<16xi32>
    %swap3A_108 = arith.constant 0 : i32
    %swap3A_109 = arith.index_cast %swap3A_108 : i32 to index
    %swap3A_110 = arith.constant 64 : index
    %swap3A_111 = tpu.vector_load %arg8[%swap3A_109, %swap3A_110] {strides = array<i32>} : memref<2x128xi32, #tpu.memory_space<vmem>>, vector<1x16xi32>,
    %swap3A_112 = vector.shape_cast %swap3A_111 : vector<1x16xi32> to vector<16xi32>
    %swap3A_113 = vector.shape_cast %and3A_107 : vector<16xi32> to vector<1x16xi32>
    tpu.vector_store %arg8[%swap3A_109, %swap3A_110], %swap3A_113 {strides = array<i32>} : memref<2x128xi32, #tpu.memory_space<vmem>>, vector<1x16xi32>,
    %get3A_114 = arith.constant 0 : i32
    %get3A_115 = arith.index_cast %get3A_114 : i32 to index
    %get3A_116 = arith.constant 80 : index
    %get3A_117 = tpu.vector_load %arg6[%get3A_115, %get3A_116] {strides = array<i32>} : memref<80x128xi32, #tpu.memory_space<vmem>>, vector<1x16xi32>,
    %get3A_118 = vector.shape_cast %get3A_117 : vector<1x16xi32> to vector<16xi32>
    %shift_right_logical3A_119 = arith.constant 14 : i32
    %shift_right_logical3A_120 = vector.broadcast %shift_right_logical3A_119 : i32 to vector<16xi32>
    %shift_right_logical3A_121 = arith.shrui %get3A_118, %shift_right_logical3A_120 : vector<16xi32>
    %swap3A_122 = arith.constant 0 : i32
    %swap3A_123 = arith.index_cast %swap3A_122 : i32 to index
    %swap3A_124 = arith.constant 80 : index
    %swap3A_125 = tpu.vector_load %arg7[%swap3A_123, %swap3A_124] {strides = array<i32>} : memref<2x128xi32, #tpu.memory_space<vmem>>, vector<1x16xi32>,
    %swap3A_126 = vector.shape_cast %swap3A_125 : vector<1x16xi32> to vector<16xi32>
    %swap3A_127 = vector.shape_cast %shift_right_logical3A_121 : vector<16xi32> to vector<1x16xi32>
    tpu.vector_store %arg7[%swap3A_123, %swap3A_124], %swap3A_127 {strides = array<i32>} : memref<2x128xi32, #tpu.memory_space<vmem>>, vector<1x16xi32>,
    %and3A_128 = arith.constant 16383 : i32
    %and3A_129 = vector.broadcast %and3A_128 : i32 to vector<16xi32>
    %and3A_130 = arith.andi %get3A_118, %and3A_129 : vector<16xi32>
    %swap3A_131 = arith.constant 0 : i32
    %swap3A_132 = arith.index_cast %swap3A_131 : i32 to index
    %swap3A_133 = arith.constant 80 : index
    %swap3A_134 = tpu.vector_load %arg8[%swap3A_132, %swap3A_133] {strides = array<i32>} : memref<2x128xi32, #tpu.memory_space<vmem>>, vector<1x16xi32>,
    %swap3A_135 = vector.shape_cast %swap3A_134 : vector<1x16xi32> to vector<16xi32>
    %swap3A_136 = vector.shape_cast %and3A_130 : vector<16xi32> to vector<1x16xi32>
    tpu.vector_store %arg8[%swap3A_132, %swap3A_133], %swap3A_136 {strides = array<i32>} : memref<2x128xi32, #tpu.memory_space<vmem>>, vector<1x16xi32>,
    %get3A_137 = arith.constant 0 : i32
    %get3A_138 = arith.index_cast %get3A_137 : i32 to index
    %get3A_139 = arith.constant 96 : index
    %get3A_140 = tpu.vector_load %arg6[%get3A_138, %get3A_139] {strides = array<i32>} : memref<80x128xi32, #tpu.memory_space<vmem>>, vector<1x16xi32>,
    %get3A_141 = vector.shape_cast %get3A_140 : vector<1x16xi32> to vector<16xi32>
    %shift_right_logical3A_142 = arith.constant 14 : i32
    %shift_right_logical3A_143 = vector.broadcast %shift_right_logical3A_142 : i32 to vector<16xi32>
    %shift_right_logical3A_144 = arith.shrui %get3A_141, %shift_right_logical3A_143 : vector<16xi32>
    %swap3A_145 = arith.constant 0 : i32
    %swap3A_146 = arith.index_cast %swap3A_145 : i32 to index
    %swap3A_147 = arith.constant 96 : index
    %swap3A_148 = tpu.vector_load %arg7[%swap3A_146, %swap3A_147] {strides = array<i32>} : memref<2x128xi32, #tpu.memory_space<vmem>>, vector<1x16xi32>,
    %swap3A_149 = vector.shape_cast %swap3A_148 : vector<1x16xi32> to vector<16xi32>
    %swap3A_150 = vector.shape_cast %shift_right_logical3A_144 : vector<16xi32> to vector<1x16xi32>
    tpu.vector_store %arg7[%swap3A_146, %swap3A_147], %swap3A_150 {strides = array<i32>} : memref<2x128xi32, #tpu.memory_space<vmem>>, vector<1x16xi32>,
    %and3A_151 = arith.constant 16383 : i32
    %and3A_152 = vector.broadcast %and3A_151 : i32 to vector<16xi32>
    %and3A_153 = arith.andi %get3A_141, %and3A_152 : vector<16xi32>
    %swap3A_154 = arith.constant 0 : i32
    %swap3A_155 = arith.index_cast %swap3A_154 : i32 to index
    %swap3A_156 = arith.constant 96 : index
    %swap3A_157 = tpu.vector_load %arg8[%swap3A_155, %swap3A_156] {strides = array<i32>} : memref<2x128xi32, #tpu.memory_space<vmem>>, vector<1x16xi32>,
    %swap3A_158 = vector.shape_cast %swap3A_157 : vector<1x16xi32> to vector<16xi32>
    %swap3A_159 = vector.shape_cast %and3A_153 : vector<16xi32> to vector<1x16xi32>
    tpu.vector_store %arg8[%swap3A_155, %swap3A_156], %swap3A_159 {strides = array<i32>} : memref<2x128xi32, #tpu.memory_space<vmem>>, vector<1x16xi32>,
    %get3A_160 = arith.constant 0 : i32
    %get3A_161 = arith.index_cast %get3A_160 : i32 to index
    %get3A_162 = arith.constant 112 : index
    %get3A_163 = tpu.vector_load %arg6[%get3A_161, %get3A_162] {strides = array<i32>} : memref<80x128xi32, #tpu.memory_space<vmem>>, vector<1x16xi32>,
    %get3A_164 = vector.shape_cast %get3A_163 : vector<1x16xi32> to vector<16xi32>
    %shift_right_logical3A_165 = arith.constant 14 : i32
    %shift_right_logical3A_166 = vector.broadcast %shift_right_logical3A_165 : i32 to vector<16xi32>
    %shift_right_logical3A_167 = arith.shrui %get3A_164, %shift_right_logical3A_166 : vector<16xi32>
    %swap3A_168 = arith.constant 0 : i32
    %swap3A_169 = arith.index_cast %swap3A_168 : i32 to index
    %swap3A_170 = arith.constant 112 : index
    %swap3A_171 = tpu.vector_load %arg7[%swap3A_169, %swap3A_170] {strides = array<i32>} : memref<2x128xi32, #tpu.memory_space<vmem>>, vector<1x16xi32>,
    %swap3A_172 = vector.shape_cast %swap3A_171 : vector<1x16xi32> to vector<16xi32>
    %swap3A_173 = vector.shape_cast %shift_right_logical3A_167 : vector<16xi32> to vector<1x16xi32>
    tpu.vector_store %arg7[%swap3A_169, %swap3A_170], %swap3A_173 {strides = array<i32>} : memref<2x128xi32, #tpu.memory_space<vmem>>, vector<1x16xi32>,
    %and3A_174 = arith.constant 16383 : i32
    %and3A_175 = vector.broadcast %and3A_174 : i32 to vector<16xi32>
    %and3A_176 = arith.andi %get3A_164, %and3A_175 : vector<16xi32>
    %swap3A_177 = arith.constant 0 : i32
    %swap3A_178 = arith.index_cast %swap3A_177 : i32 to index
    %swap3A_179 = arith.constant 112 : index
    %swap3A_180 = tpu.vector_load %arg8[%swap3A_178, %swap3A_179] {strides = array<i32>} : memref<2x128xi32, #tpu.memory_space<vmem>>, vector<1x16xi32>,
    %swap3A_181 = vector.shape_cast %swap3A_180 : vector<1x16xi32> to vector<16xi32>
    %swap3A_182 = vector.shape_cast %and3A_176 : vector<16xi32> to vector<1x16xi32>
    tpu.vector_store %arg8[%swap3A_178, %swap3A_179], %swap3A_182 {strides = array<i32>} : memref<2x128xi32, #tpu.memory_space<vmem>>, vector<1x16xi32>,
    %dma_start3A = arith.constant 0 : i32
    %dma_start3A_183 = arith.constant 0 : i32
    %dma_start3A_184 = tpu.memref_slice %arg7[%dma_start3A, %dma_start3A_183] : memref<2x128xi32, #tpu.memory_space<vmem>> -> memref<1x128xi32, #tpu.memory_space<vmem>>
    %dma_start3A_185 = tpu.memref_squeeze %dma_start3A_184 : memref<1x128xi32, #tpu.memory_space<vmem>> -> memref<128xi32, #tpu.memory_space<vmem>>
    %dma_start3A_186 = arith.constant 0 : i32
    %dma_start3A_187 = arith.constant 0 : i32
    %dma_start3A_188 = tpu.memref_slice %arg2[%dma_start3A_186, %dma_start3A_187] : memref<10000x128xf32, #tpu.memory_space<hbm>> -> memref<10000x128xf32, #tpu.memory_space<hbm>>
    tpu.enqueue_indirect_dma source(%dma_start3A_188 : memref<10000x128xf32, #tpu.memory_space<hbm>>) target(%arg9 : memref<128x128xf32, #tpu.memory_space<vmem>>) offsets(%dma_start3A_185 : memref<128xi32, #tpu.memory_space<vmem>>) semaphore(%arg12 : memref<!tpu.dma_semaphore, #tpu.memory_space<semaphore_mem>>)
    %scan3A = arith.constant 0 : i32
    %scan3A_189 = arith.constant 0 : i32
    %scan3A_190 = arith.constant 40 : i32
    %scan3A_191 = arith.addi %scan3A_189, %scan3A_190 : i32
    %scan3A_192 = arith.constant 1 : i32
    scf.for %scan3A_199 = %scan3A_189 to %scan3A_191 step %scan3A_192  : i32 {
      %mul3A_200 = arith.constant 2 : i32
      %mul3A_201 = arith.muli %mul3A_200, %scan3A_199 : i32
      %add3A_202 = arith.constant 1 : i32
      %add3A_203 = arith.addi %mul3A_201, %add3A_202 : i32
      %get3A_204 = arith.index_cast %add3A_203 : i32 to index
      %get3A_205 = arith.constant 0 : index
      %get3A_206 = tpu.vector_load %arg6[%get3A_204, %get3A_205] {strides = array<i32>} : memref<80x128xi32, #tpu.memory_space<vmem>>, vector<1x16xi32>,
      %get3A_207 = vector.shape_cast %get3A_206 : vector<1x16xi32> to vector<16xi32>
      %shift_right_logical3A_208 = arith.constant 14 : i32
      %shift_right_logical3A_209 = vector.broadcast %shift_right_logical3A_208 : i32 to vector<16xi32>
      %shift_right_logical3A_210 = arith.shrui %get3A_207, %shift_right_logical3A_209 : vector<16xi32>
      %swap3A_211 = arith.constant 1 : i32
      %swap3A_212 = arith.index_cast %swap3A_211 : i32 to index
      %swap3A_213 = arith.constant 0 : index
      %swap3A_214 = tpu.vector_load %arg7[%swap3A_212, %swap3A_213] {strides = array<i32>} : memref<2x128xi32, #tpu.memory_space<vmem>>, vector<1x16xi32>,
      %swap3A_215 = vector.shape_cast %swap3A_214 : vector<1x16xi32> to vector<16xi32>
      %swap3A_216 = vector.shape_cast %shift_right_logical3A_210 : vector<16xi32> to vector<1x16xi32>
      tpu.vector_store %arg7[%swap3A_212, %swap3A_213], %swap3A_216 {strides = array<i32>} : memref<2x128xi32, #tpu.memory_space<vmem>>, vector<1x16xi32>,
      %and3A_217 = arith.constant 16383 : i32
      %and3A_218 = vector.broadcast %and3A_217 : i32 to vector<16xi32>
      %and3A_219 = arith.andi %get3A_207, %and3A_218 : vector<16xi32>
      %swap3A_220 = arith.constant 1 : i32
      %swap3A_221 = arith.index_cast %swap3A_220 : i32 to index
      %swap3A_222 = arith.constant 0 : index
      %swap3A_223 = tpu.vector_load %arg8[%swap3A_221, %swap3A_222] {strides = array<i32>} : memref<2x128xi32, #tpu.memory_space<vmem>>, vector<1x16xi32>,
      %swap3A_224 = vector.shape_cast %swap3A_223 : vector<1x16xi32> to vector<16xi32>
      %swap3A_225 = vector.shape_cast %and3A_219 : vector<16xi32> to vector<1x16xi32>
      tpu.vector_store %arg8[%swap3A_221, %swap3A_222], %swap3A_225 {strides = array<i32>} : memref<2x128xi32, #tpu.memory_space<vmem>>, vector<1x16xi32>,
      %get3A_226 = arith.index_cast %add3A_203 : i32 to index
      %get3A_227 = arith.constant 16 : index
      %get3A_228 = tpu.vector_load %arg6[%get3A_226, %get3A_227] {strides = array<i32>} : memref<80x128xi32, #tpu.memory_space<vmem>>, vector<1x16xi32>,
      %get3A_229 = vector.shape_cast %get3A_228 : vector<1x16xi32> to vector<16xi32>
      %shift_right_logical3A_230 = arith.constant 14 : i32
      %shift_right_logical3A_231 = vector.broadcast %shift_right_logical3A_230 : i32 to vector<16xi32>
      %shift_right_logical3A_232 = arith.shrui %get3A_229, %shift_right_logical3A_231 : vector<16xi32>
      %swap3A_233 = arith.constant 1 : i32
      %swap3A_234 = arith.index_cast %swap3A_233 : i32 to index
      %swap3A_235 = arith.constant 16 : index
      %swap3A_236 = tpu.vector_load %arg7[%swap3A_234, %swap3A_235] {strides = array<i32>} : memref<2x128xi32, #tpu.memory_space<vmem>>, vector<1x16xi32>,
      %swap3A_237 = vector.shape_cast %swap3A_236 : vector<1x16xi32> to vector<16xi32>
      %swap3A_238 = vector.shape_cast %shift_right_logical3A_232 : vector<16xi32> to vector<1x16xi32>
      tpu.vector_store %arg7[%swap3A_234, %swap3A_235], %swap3A_238 {strides = array<i32>} : memref<2x128xi32, #tpu.memory_space<vmem>>, vector<1x16xi32>,
      %and3A_239 = arith.constant 16383 : i32
      %and3A_240 = vector.broadcast %and3A_239 : i32 to vector<16xi32>
      %and3A_241 = arith.andi %get3A_229, %and3A_240 : vector<16xi32>
      %swap3A_242 = arith.constant 1 : i32
      %swap3A_243 = arith.index_cast %swap3A_242 : i32 to index
      %swap3A_244 = arith.constant 16 : index
      %swap3A_245 = tpu.vector_load %arg8[%swap3A_243, %swap3A_244] {strides = array<i32>} : memref<2x128xi32, #tpu.memory_space<vmem>>, vector<1x16xi32>,
      %swap3A_246 = vector.shape_cast %swap3A_245 : vector<1x16xi32> to vector<16xi32>
      %swap3A_247 = vector.shape_cast %and3A_241 : vector<16xi32> to vector<1x16xi32>
      tpu.vector_store %arg8[%swap3A_243, %swap3A_244], %swap3A_247 {strides = array<i32>} : memref<2x128xi32, #tpu.memory_space<vmem>>, vector<1x16xi32>,
      %get3A_248 = arith.index_cast %add3A_203 : i32 to index
      %get3A_249 = arith.constant 32 : index
      %get3A_250 = tpu.vector_load %arg6[%get3A_248, %get3A_249] {strides = array<i32>} : memref<80x128xi32, #tpu.memory_space<vmem>>, vector<1x16xi32>,
      %get3A_251 = vector.shape_cast %get3A_250 : vector<1x16xi32> to vector<16xi32>
      %shift_right_logical3A_252 = arith.constant 14 : i32
      %shift_right_logical3A_253 = vector.broadcast %shift_right_logical3A_252 : i32 to vector<16xi32>
      %shift_right_logical3A_254 = arith.shrui %get3A_251, %shift_right_logical3A_253 : vector<16xi32>
      %swap3A_255 = arith.constant 1 : i32
      %swap3A_256 = arith.index_cast %swap3A_255 : i32 to index
      %swap3A_257 = arith.constant 32 : index
      %swap3A_258 = tpu.vector_load %arg7[%swap3A_256, %swap3A_257] {strides = array<i32>} : memref<2x128xi32, #tpu.memory_space<vmem>>, vector<1x16xi32>,
      %swap3A_259 = vector.shape_cast %swap3A_258 : vector<1x16xi32> to vector<16xi32>
      %swap3A_260 = vector.shape_cast %shift_right_logical3A_254 : vector<16xi32> to vector<1x16xi32>
      tpu.vector_store %arg7[%swap3A_256, %swap3A_257], %swap3A_260 {strides = array<i32>} : memref<2x128xi32, #tpu.memory_space<vmem>>, vector<1x16xi32>,
      %and3A_261 = arith.constant 16383 : i32
      %and3A_262 = vector.broadcast %and3A_261 : i32 to vector<16xi32>
      %and3A_263 = arith.andi %get3A_251, %and3A_262 : vector<16xi32>
      %swap3A_264 = arith.constant 1 : i32
      %swap3A_265 = arith.index_cast %swap3A_264 : i32 to index
      %swap3A_266 = arith.constant 32 : index
      %swap3A_267 = tpu.vector_load %arg8[%swap3A_265, %swap3A_266] {strides = array<i32>} : memref<2x128xi32, #tpu.memory_space<vmem>>, vector<1x16xi32>,
      %swap3A_268 = vector.shape_cast %swap3A_267 : vector<1x16xi32> to vector<16xi32>
      %swap3A_269 = vector.shape_cast %and3A_263 : vector<16xi32> to vector<1x16xi32>
      tpu.vector_store %arg8[%swap3A_265, %swap3A_266], %swap3A_269 {strides = array<i32>} : memref<2x128xi32, #tpu.memory_space<vmem>>, vector<1x16xi32>,
      %get3A_270 = arith.index_cast %add3A_203 : i32 to index
      %get3A_271 = arith.constant 48 : index
      %get3A_272 = tpu.vector_load %arg6[%get3A_270, %get3A_271] {strides = array<i32>} : memref<80x128xi32, #tpu.memory_space<vmem>>, vector<1x16xi32>,
      %get3A_273 = vector.shape_cast %get3A_272 : vector<1x16xi32> to vector<16xi32>
      %shift_right_logical3A_274 = arith.constant 14 : i32
      %shift_right_logical3A_275 = vector.broadcast %shift_right_logical3A_274 : i32 to vector<16xi32>
      %shift_right_logical3A_276 = arith.shrui %get3A_273, %shift_right_logical3A_275 : vector<16xi32>
      %swap3A_277 = arith.constant 1 : i32
      %swap3A_278 = arith.index_cast %swap3A_277 : i32 to index
      %swap3A_279 = arith.constant 48 : index
      %swap3A_280 = tpu.vector_load %arg7[%swap3A_278, %swap3A_279] {strides = array<i32>} : memref<2x128xi32, #tpu.memory_space<vmem>>, vector<1x16xi32>,
      %swap3A_281 = vector.shape_cast %swap3A_280 : vector<1x16xi32> to vector<16xi32>
      %swap3A_282 = vector.shape_cast %shift_right_logical3A_276 : vector<16xi32> to vector<1x16xi32>
      tpu.vector_store %arg7[%swap3A_278, %swap3A_279], %swap3A_282 {strides = array<i32>} : memref<2x128xi32, #tpu.memory_space<vmem>>, vector<1x16xi32>,
      %and3A_283 = arith.constant 16383 : i32
      %and3A_284 = vector.broadcast %and3A_283 : i32 to vector<16xi32>
      %and3A_285 = arith.andi %get3A_273, %and3A_284 : vector<16xi32>
      %swap3A_286 = arith.constant 1 : i32
      %swap3A_287 = arith.index_cast %swap3A_286 : i32 to index
      %swap3A_288 = arith.constant 48 : index
      %swap3A_289 = tpu.vector_load %arg8[%swap3A_287, %swap3A_288] {strides = array<i32>} : memref<2x128xi32, #tpu.memory_space<vmem>>, vector<1x16xi32>,
      %swap3A_290 = vector.shape_cast %swap3A_289 : vector<1x16xi32> to vector<16xi32>
      %swap3A_291 = vector.shape_cast %and3A_285 : vector<16xi32> to vector<1x16xi32>
      tpu.vector_store %arg8[%swap3A_287, %swap3A_288], %swap3A_291 {strides = array<i32>} : memref<2x128xi32, #tpu.memory_space<vmem>>, vector<1x16xi32>,
      %get3A_292 = arith.index_cast %add3A_203 : i32 to index
      %get3A_293 = arith.constant 64 : index
      %get3A_294 = tpu.vector_load %arg6[%get3A_292, %get3A_293] {strides = array<i32>} : memref<80x128xi32, #tpu.memory_space<vmem>>, vector<1x16xi32>,
      %get3A_295 = vector.shape_cast %get3A_294 : vector<1x16xi32> to vector<16xi32>
      %shift_right_logical3A_296 = arith.constant 14 : i32
      %shift_right_logical3A_297 = vector.broadcast %shift_right_logical3A_296 : i32 to vector<16xi32>
      %shift_right_logical3A_298 = arith.shrui %get3A_295, %shift_right_logical3A_297 : vector<16xi32>
      %swap3A_299 = arith.constant 1 : i32
      %swap3A_300 = arith.index_cast %swap3A_299 : i32 to index
      %swap3A_301 = arith.constant 64 : index
      %swap3A_302 = tpu.vector_load %arg7[%swap3A_300, %swap3A_301] {strides = array<i32>} : memref<2x128xi32, #tpu.memory_space<vmem>>, vector<1x16xi32>,
      %swap3A_303 = vector.shape_cast %swap3A_302 : vector<1x16xi32> to vector<16xi32>
      %swap3A_304 = vector.shape_cast %shift_right_logical3A_298 : vector<16xi32> to vector<1x16xi32>
      tpu.vector_store %arg7[%swap3A_300, %swap3A_301], %swap3A_304 {strides = array<i32>} : memref<2x128xi32, #tpu.memory_space<vmem>>, vector<1x16xi32>,
      %and3A_305 = arith.constant 16383 : i32
      %and3A_306 = vector.broadcast %and3A_305 : i32 to vector<16xi32>
      %and3A_307 = arith.andi %get3A_295, %and3A_306 : vector<16xi32>
      %swap3A_308 = arith.constant 1 : i32
      %swap3A_309 = arith.index_cast %swap3A_308 : i32 to index
      %swap3A_310 = arith.constant 64 : index
      %swap3A_311 = tpu.vector_load %arg8[%swap3A_309, %swap3A_310] {strides = array<i32>} : memref<2x128xi32, #tpu.memory_space<vmem>>, vector<1x16xi32>,
      %swap3A_312 = vector.shape_cast %swap3A_311 : vector<1x16xi32> to vector<16xi32>
      %swap3A_313 = vector.shape_cast %and3A_307 : vector<16xi32> to vector<1x16xi32>
      tpu.vector_store %arg8[%swap3A_309, %swap3A_310], %swap3A_313 {strides = array<i32>} : memref<2x128xi32, #tpu.memory_space<vmem>>, vector<1x16xi32>,
      %get3A_314 = arith.index_cast %add3A_203 : i32 to index
      %get3A_315 = arith.constant 80 : index
      %get3A_316 = tpu.vector_load %arg6[%get3A_314, %get3A_315] {strides = array<i32>} : memref<80x128xi32, #tpu.memory_space<vmem>>, vector<1x16xi32>,
      %get3A_317 = vector.shape_cast %get3A_316 : vector<1x16xi32> to vector<16xi32>
      %shift_right_logical3A_318 = arith.constant 14 : i32
      %shift_right_logical3A_319 = vector.broadcast %shift_right_logical3A_318 : i32 to vector<16xi32>
      %shift_right_logical3A_320 = arith.shrui %get3A_317, %shift_right_logical3A_319 : vector<16xi32>
      %swap3A_321 = arith.constant 1 : i32
      %swap3A_322 = arith.index_cast %swap3A_321 : i32 to index
      %swap3A_323 = arith.constant 80 : index
      %swap3A_324 = tpu.vector_load %arg7[%swap3A_322, %swap3A_323] {strides = array<i32>} : memref<2x128xi32, #tpu.memory_space<vmem>>, vector<1x16xi32>,
      %swap3A_325 = vector.shape_cast %swap3A_324 : vector<1x16xi32> to vector<16xi32>
      %swap3A_326 = vector.shape_cast %shift_right_logical3A_320 : vector<16xi32> to vector<1x16xi32>
      tpu.vector_store %arg7[%swap3A_322, %swap3A_323], %swap3A_326 {strides = array<i32>} : memref<2x128xi32, #tpu.memory_space<vmem>>, vector<1x16xi32>,
      %and3A_327 = arith.constant 16383 : i32
      %and3A_328 = vector.broadcast %and3A_327 : i32 to vector<16xi32>
      %and3A_329 = arith.andi %get3A_317, %and3A_328 : vector<16xi32>
      %swap3A_330 = arith.constant 1 : i32
      %swap3A_331 = arith.index_cast %swap3A_330 : i32 to index
      %swap3A_332 = arith.constant 80 : index
      %swap3A_333 = tpu.vector_load %arg8[%swap3A_331, %swap3A_332] {strides = array<i32>} : memref<2x128xi32, #tpu.memory_space<vmem>>, vector<1x16xi32>,
      %swap3A_334 = vector.shape_cast %swap3A_333 : vector<1x16xi32> to vector<16xi32>
      %swap3A_335 = vector.shape_cast %and3A_329 : vector<16xi32> to vector<1x16xi32>
      tpu.vector_store %arg8[%swap3A_331, %swap3A_332], %swap3A_335 {strides = array<i32>} : memref<2x128xi32, #tpu.memory_space<vmem>>, vector<1x16xi32>,
      %get3A_336 = arith.index_cast %add3A_203 : i32 to index
      %get3A_337 = arith.constant 96 : index
      %get3A_338 = tpu.vector_load %arg6[%get3A_336, %get3A_337] {strides = array<i32>} : memref<80x128xi32, #tpu.memory_space<vmem>>, vector<1x16xi32>,
      %get3A_339 = vector.shape_cast %get3A_338 : vector<1x16xi32> to vector<16xi32>
      %shift_right_logical3A_340 = arith.constant 14 : i32
      %shift_right_logical3A_341 = vector.broadcast %shift_right_logical3A_340 : i32 to vector<16xi32>
      %shift_right_logical3A_342 = arith.shrui %get3A_339, %shift_right_logical3A_341 : vector<16xi32>
      %swap3A_343 = arith.constant 1 : i32
      %swap3A_344 = arith.index_cast %swap3A_343 : i32 to index
      %swap3A_345 = arith.constant 96 : index
      %swap3A_346 = tpu.vector_load %arg7[%swap3A_344, %swap3A_345] {strides = array<i32>} : memref<2x128xi32, #tpu.memory_space<vmem>>, vector<1x16xi32>,
      %swap3A_347 = vector.shape_cast %swap3A_346 : vector<1x16xi32> to vector<16xi32>
      %swap3A_348 = vector.shape_cast %shift_right_logical3A_342 : vector<16xi32> to vector<1x16xi32>
      tpu.vector_store %arg7[%swap3A_344, %swap3A_345], %swap3A_348 {strides = array<i32>} : memref<2x128xi32, #tpu.memory_space<vmem>>, vector<1x16xi32>,
      %and3A_349 = arith.constant 16383 : i32
      %and3A_350 = vector.broadcast %and3A_349 : i32 to vector<16xi32>
      %and3A_351 = arith.andi %get3A_339, %and3A_350 : vector<16xi32>
      %swap3A_352 = arith.constant 1 : i32
      %swap3A_353 = arith.index_cast %swap3A_352 : i32 to index
      %swap3A_354 = arith.constant 96 : index
      %swap3A_355 = tpu.vector_load %arg8[%swap3A_353, %swap3A_354] {strides = array<i32>} : memref<2x128xi32, #tpu.memory_space<vmem>>, vector<1x16xi32>,
      %swap3A_356 = vector.shape_cast %swap3A_355 : vector<1x16xi32> to vector<16xi32>
      %swap3A_357 = vector.shape_cast %and3A_351 : vector<16xi32> to vector<1x16xi32>
      tpu.vector_store %arg8[%swap3A_353, %swap3A_354], %swap3A_357 {strides = array<i32>} : memref<2x128xi32, #tpu.memory_space<vmem>>, vector<1x16xi32>,
      %get3A_358 = arith.index_cast %add3A_203 : i32 to index
      %get3A_359 = arith.constant 112 : index
      %get3A_360 = tpu.vector_load %arg6[%get3A_358, %get3A_359] {strides = array<i32>} : memref<80x128xi32, #tpu.memory_space<vmem>>, vector<1x16xi32>,
      %get3A_361 = vector.shape_cast %get3A_360 : vector<1x16xi32> to vector<16xi32>
      %shift_right_logical3A_362 = arith.constant 14 : i32
      %shift_right_logical3A_363 = vector.broadcast %shift_right_logical3A_362 : i32 to vector<16xi32>
      %shift_right_logical3A_364 = arith.shrui %get3A_361, %shift_right_logical3A_363 : vector<16xi32>
      %swap3A_365 = arith.constant 1 : i32
      %swap3A_366 = arith.index_cast %swap3A_365 : i32 to index
      %swap3A_367 = arith.constant 112 : index
      %swap3A_368 = tpu.vector_load %arg7[%swap3A_366, %swap3A_367] {strides = array<i32>} : memref<2x128xi32, #tpu.memory_space<vmem>>, vector<1x16xi32>,
      %swap3A_369 = vector.shape_cast %swap3A_368 : vector<1x16xi32> to vector<16xi32>
      %swap3A_370 = vector.shape_cast %shift_right_logical3A_364 : vector<16xi32> to vector<1x16xi32>
      tpu.vector_store %arg7[%swap3A_366, %swap3A_367], %swap3A_370 {strides = array<i32>} : memref<2x128xi32, #tpu.memory_space<vmem>>, vector<1x16xi32>,
      %and3A_371 = arith.constant 16383 : i32
      %and3A_372 = vector.broadcast %and3A_371 : i32 to vector<16xi32>
      %and3A_373 = arith.andi %get3A_361, %and3A_372 : vector<16xi32>
      %swap3A_374 = arith.constant 1 : i32
      %swap3A_375 = arith.index_cast %swap3A_374 : i32 to index
      %swap3A_376 = arith.constant 112 : index
      %swap3A_377 = tpu.vector_load %arg8[%swap3A_375, %swap3A_376] {strides = array<i32>} : memref<2x128xi32, #tpu.memory_space<vmem>>, vector<1x16xi32>,
      %swap3A_378 = vector.shape_cast %swap3A_377 : vector<1x16xi32> to vector<16xi32>
      %swap3A_379 = vector.shape_cast %and3A_373 : vector<16xi32> to vector<1x16xi32>
      tpu.vector_store %arg8[%swap3A_375, %swap3A_376], %swap3A_379 {strides = array<i32>} : memref<2x128xi32, #tpu.memory_space<vmem>>, vector<1x16xi32>,
      %dma_start3A_380 = arith.constant 1 : i32
      %dma_start3A_381 = arith.constant 0 : i32
      %dma_start3A_382 = tpu.memref_slice %arg7[%dma_start3A_380, %dma_start3A_381] : memref<2x128xi32, #tpu.memory_space<vmem>> -> memref<1x128xi32, #tpu.memory_space<vmem>>
      %dma_start3A_383 = tpu.memref_squeeze %dma_start3A_382 : memref<1x128xi32, #tpu.memory_space<vmem>> -> memref<128xi32, #tpu.memory_space<vmem>>
      %dma_start3A_384 = arith.constant 0 : i32
      %dma_start3A_385 = arith.constant 0 : i32
      %dma_start3A_386 = tpu.memref_slice %arg2[%dma_start3A_384, %dma_start3A_385] : memref<10000x128xf32, #tpu.memory_space<hbm>> -> memref<10000x128xf32, #tpu.memory_space<hbm>>
      tpu.enqueue_indirect_dma source(%dma_start3A_386 : memref<10000x128xf32, #tpu.memory_space<hbm>>) target(%arg10 : memref<128x128xf32, #tpu.memory_space<vmem>>) offsets(%dma_start3A_383 : memref<128xi32, #tpu.memory_space<vmem>>) semaphore(%arg13 : memref<!tpu.dma_semaphore, #tpu.memory_space<semaphore_mem>>)
      %dma_wait3A = arith.constant 0 : i32
      %dma_wait3A_387 = arith.constant 0 : i32
      %dma_wait3A_388 = tpu.memref_slice %arg7[%dma_wait3A, %dma_wait3A_387] : memref<2x128xi32, #tpu.memory_space<vmem>> -> memref<1x128xi32, #tpu.memory_space<vmem>>
      %dma_wait3A_389 = tpu.memref_squeeze %dma_wait3A_388 : memref<1x128xi32, #tpu.memory_space<vmem>> -> memref<128xi32, #tpu.memory_space<vmem>>
      %dma_wait3A_390 = arith.constant 0 : i32
      %dma_wait3A_391 = arith.constant 0 : i32
      %dma_wait3A_392 = tpu.memref_slice %arg2[%dma_wait3A_390, %dma_wait3A_391] : memref<10000x128xf32, #tpu.memory_space<hbm>> -> memref<10000x128xf32, #tpu.memory_space<hbm>>
      tpu.wait_indirect_dma semaphore(%arg12 : memref<!tpu.dma_semaphore, #tpu.memory_space<semaphore_mem>>) src(%dma_wait3A_392 : memref<10000x128xf32, #tpu.memory_space<hbm>>) dst(%arg9 : memref<128x128xf32, #tpu.memory_space<vmem>>)
      %run_scoped3A = arith.constant 0 : i32
      "tpu.region"() ({
        %run_scoped3A_403 = tpu.sem_alloc : memref<!tpu.dma_semaphore, #tpu.memory_space<semaphore_mem>>
        %dma_start3A_404 = arith.constant 0 : i32
        %dma_start3A_405 = tpu.memref_slice %arg8[%run_scoped3A, %dma_start3A_404] : memref<2x128xi32, #tpu.memory_space<vmem>> -> memref<1x128xi32, #tpu.memory_space<vmem>>
        %dma_start3A_406 = tpu.memref_squeeze %dma_start3A_405 : memref<1x128xi32, #tpu.memory_space<vmem>> -> memref<128xi32, #tpu.memory_space<vmem>>
        %dma_start3A_407 = arith.constant 0 : i32
        %dma_start3A_408 = arith.constant 0 : i32
        %dma_start3A_409 = tpu.memref_slice %arg11[%dma_start3A_407, %dma_start3A_408] : memref<10112x128xf32, #tpu.memory_space<vmem_shared>> -> memref<10112x128xf32, #tpu.memory_space<vmem_shared>>
        tpu.enqueue_indirect_dma source(%arg9 : memref<128x128xf32, #tpu.memory_space<vmem>>) target(%dma_start3A_409 : memref<10112x128xf32, #tpu.memory_space<vmem_shared>>) offsets(%dma_start3A_406 : memref<128xi32, #tpu.memory_space<vmem>>) semaphore(%run_scoped3A_403 : memref<!tpu.dma_semaphore, #tpu.memory_space<semaphore_mem>>) {add = true}
        %dma_wait3A_410 = arith.constant 0 : i32
        %dma_wait3A_411 = tpu.memref_slice %arg8[%run_scoped3A, %dma_wait3A_410] : memref<2x128xi32, #tpu.memory_space<vmem>> -> memref<1x128xi32, #tpu.memory_space<vmem>>
        %dma_wait3A_412 = tpu.memref_squeeze %dma_wait3A_411 : memref<1x128xi32, #tpu.memory_space<vmem>> -> memref<128xi32, #tpu.memory_space<vmem>>
        %dma_wait3A_413 = arith.constant 0 : i32
        %dma_wait3A_414 = arith.constant 0 : i32
        %dma_wait3A_415 = tpu.memref_slice %arg11[%dma_wait3A_413, %dma_wait3A_414] : memref<10112x128xf32, #tpu.memory_space<vmem_shared>> -> memref<10112x128xf32, #tpu.memory_space<vmem_shared>>
        tpu.wait_indirect_dma semaphore(%run_scoped3A_403 : memref<!tpu.dma_semaphore, #tpu.memory_space<semaphore_mem>>) src(%arg9 : memref<128x128xf32, #tpu.memory_space<vmem>>) dst(%dma_wait3A_415 : memref<10112x128xf32, #tpu.memory_space<vmem_shared>>)
        tpu.yield
      }) : () -> ()
      %lt3A = arith.constant 39 : i32
      %lt3A_393 = arith.cmpi slt, %scan3A_199, %lt3A : i32
      %convert_element_type3A = arith.extui %lt3A_393 : i1 to i32
      %cond3A = arith.constant 0 : i32
      %cond3A_394 = arith.cmpi ne, %convert_element_type3A, %cond3A : i32
      scf.if %cond3A_394 {
        %add3A_403 = arith.constant 2 : i32
        %add3A_404 = arith.addi %mul3A_201, %add3A_403 : i32
        %get3A_405 = arith.index_cast %add3A_404 : i32 to index
        %get3A_406 = arith.constant 0 : index
        %get3A_407 = tpu.vector_load %arg6[%get3A_405, %get3A_406] {strides = array<i32>} : memref<80x128xi32, #tpu.memory_space<vmem>>, vector<1x16xi32>,
        %get3A_408 = vector.shape_cast %get3A_407 : vector<1x16xi32> to vector<16xi32>
        %shift_right_logical3A_409 = arith.constant 14 : i32
        %shift_right_logical3A_410 = vector.broadcast %shift_right_logical3A_409 : i32 to vector<16xi32>
        %shift_right_logical3A_411 = arith.shrui %get3A_408, %shift_right_logical3A_410 : vector<16xi32>
        %swap3A_412 = arith.constant 0 : i32
        %swap3A_413 = arith.index_cast %swap3A_412 : i32 to index
        %swap3A_414 = arith.constant 0 : index
        %swap3A_415 = tpu.vector_load %arg7[%swap3A_413, %swap3A_414] {strides = array<i32>} : memref<2x128xi32, #tpu.memory_space<vmem>>, vector<1x16xi32>,
        %swap3A_416 = vector.shape_cast %swap3A_415 : vector<1x16xi32> to vector<16xi32>
        %swap3A_417 = vector.shape_cast %shift_right_logical3A_411 : vector<16xi32> to vector<1x16xi32>
        tpu.vector_store %arg7[%swap3A_413, %swap3A_414], %swap3A_417 {strides = array<i32>} : memref<2x128xi32, #tpu.memory_space<vmem>>, vector<1x16xi32>,
        %and3A_418 = arith.constant 16383 : i32
        %and3A_419 = vector.broadcast %and3A_418 : i32 to vector<16xi32>
        %and3A_420 = arith.andi %get3A_408, %and3A_419 : vector<16xi32>
        %swap3A_421 = arith.constant 0 : i32
        %swap3A_422 = arith.index_cast %swap3A_421 : i32 to index
        %swap3A_423 = arith.constant 0 : index
        %swap3A_424 = tpu.vector_load %arg8[%swap3A_422, %swap3A_423] {strides = array<i32>} : memref<2x128xi32, #tpu.memory_space<vmem>>, vector<1x16xi32>,
        %swap3A_425 = vector.shape_cast %swap3A_424 : vector<1x16xi32> to vector<16xi32>
        %swap3A_426 = vector.shape_cast %and3A_420 : vector<16xi32> to vector<1x16xi32>
        tpu.vector_store %arg8[%swap3A_422, %swap3A_423], %swap3A_426 {strides = array<i32>} : memref<2x128xi32, #tpu.memory_space<vmem>>, vector<1x16xi32>,
        %get3A_427 = arith.index_cast %add3A_404 : i32 to index
        %get3A_428 = arith.constant 16 : index
        %get3A_429 = tpu.vector_load %arg6[%get3A_427, %get3A_428] {strides = array<i32>} : memref<80x128xi32, #tpu.memory_space<vmem>>, vector<1x16xi32>,
        %get3A_430 = vector.shape_cast %get3A_429 : vector<1x16xi32> to vector<16xi32>
        %shift_right_logical3A_431 = arith.constant 14 : i32
        %shift_right_logical3A_432 = vector.broadcast %shift_right_logical3A_431 : i32 to vector<16xi32>
        %shift_right_logical3A_433 = arith.shrui %get3A_430, %shift_right_logical3A_432 : vector<16xi32>
        %swap3A_434 = arith.constant 0 : i32
        %swap3A_435 = arith.index_cast %swap3A_434 : i32 to index
        %swap3A_436 = arith.constant 16 : index
        %swap3A_437 = tpu.vector_load %arg7[%swap3A_435, %swap3A_436] {strides = array<i32>} : memref<2x128xi32, #tpu.memory_space<vmem>>, vector<1x16xi32>,
        %swap3A_438 = vector.shape_cast %swap3A_437 : vector<1x16xi32> to vector<16xi32>
        %swap3A_439 = vector.shape_cast %shift_right_logical3A_433 : vector<16xi32> to vector<1x16xi32>
        tpu.vector_store %arg7[%swap3A_435, %swap3A_436], %swap3A_439 {strides = array<i32>} : memref<2x128xi32, #tpu.memory_space<vmem>>, vector<1x16xi32>,
        %and3A_440 = arith.constant 16383 : i32
        %and3A_441 = vector.broadcast %and3A_440 : i32 to vector<16xi32>
        %and3A_442 = arith.andi %get3A_430, %and3A_441 : vector<16xi32>
        %swap3A_443 = arith.constant 0 : i32
        %swap3A_444 = arith.index_cast %swap3A_443 : i32 to index
        %swap3A_445 = arith.constant 16 : index
        %swap3A_446 = tpu.vector_load %arg8[%swap3A_444, %swap3A_445] {strides = array<i32>} : memref<2x128xi32, #tpu.memory_space<vmem>>, vector<1x16xi32>,
        %swap3A_447 = vector.shape_cast %swap3A_446 : vector<1x16xi32> to vector<16xi32>
        %swap3A_448 = vector.shape_cast %and3A_442 : vector<16xi32> to vector<1x16xi32>
        tpu.vector_store %arg8[%swap3A_444, %swap3A_445], %swap3A_448 {strides = array<i32>} : memref<2x128xi32, #tpu.memory_space<vmem>>, vector<1x16xi32>,
        %get3A_449 = arith.index_cast %add3A_404 : i32 to index
        %get3A_450 = arith.constant 32 : index
        %get3A_451 = tpu.vector_load %arg6[%get3A_449, %get3A_450] {strides = array<i32>} : memref<80x128xi32, #tpu.memory_space<vmem>>, vector<1x16xi32>,
        %get3A_452 = vector.shape_cast %get3A_451 : vector<1x16xi32> to vector<16xi32>
        %shift_right_logical3A_453 = arith.constant 14 : i32
        %shift_right_logical3A_454 = vector.broadcast %shift_right_logical3A_453 : i32 to vector<16xi32>
        %shift_right_logical3A_455 = arith.shrui %get3A_452, %shift_right_logical3A_454 : vector<16xi32>
        %swap3A_456 = arith.constant 0 : i32
        %swap3A_457 = arith.index_cast %swap3A_456 : i32 to index
        %swap3A_458 = arith.constant 32 : index
        %swap3A_459 = tpu.vector_load %arg7[%swap3A_457, %swap3A_458] {strides = array<i32>} : memref<2x128xi32, #tpu.memory_space<vmem>>, vector<1x16xi32>,
        %swap3A_460 = vector.shape_cast %swap3A_459 : vector<1x16xi32> to vector<16xi32>
        %swap3A_461 = vector.shape_cast %shift_right_logical3A_455 : vector<16xi32> to vector<1x16xi32>
        tpu.vector_store %arg7[%swap3A_457, %swap3A_458], %swap3A_461 {strides = array<i32>} : memref<2x128xi32, #tpu.memory_space<vmem>>, vector<1x16xi32>,
        %and3A_462 = arith.constant 16383 : i32
        %and3A_463 = vector.broadcast %and3A_462 : i32 to vector<16xi32>
        %and3A_464 = arith.andi %get3A_452, %and3A_463 : vector<16xi32>
        %swap3A_465 = arith.constant 0 : i32
        %swap3A_466 = arith.index_cast %swap3A_465 : i32 to index
        %swap3A_467 = arith.constant 32 : index
        %swap3A_468 = tpu.vector_load %arg8[%swap3A_466, %swap3A_467] {strides = array<i32>} : memref<2x128xi32, #tpu.memory_space<vmem>>, vector<1x16xi32>,
        %swap3A_469 = vector.shape_cast %swap3A_468 : vector<1x16xi32> to vector<16xi32>
        %swap3A_470 = vector.shape_cast %and3A_464 : vector<16xi32> to vector<1x16xi32>
        tpu.vector_store %arg8[%swap3A_466, %swap3A_467], %swap3A_470 {strides = array<i32>} : memref<2x128xi32, #tpu.memory_space<vmem>>, vector<1x16xi32>,
        %get3A_471 = arith.index_cast %add3A_404 : i32 to index
        %get3A_472 = arith.constant 48 : index
        %get3A_473 = tpu.vector_load %arg6[%get3A_471, %get3A_472] {strides = array<i32>} : memref<80x128xi32, #tpu.memory_space<vmem>>, vector<1x16xi32>,
        %get3A_474 = vector.shape_cast %get3A_473 : vector<1x16xi32> to vector<16xi32>
        %shift_right_logical3A_475 = arith.constant 14 : i32
        %shift_right_logical3A_476 = vector.broadcast %shift_right_logical3A_475 : i32 to vector<16xi32>
        %shift_right_logical3A_477 = arith.shrui %get3A_474, %shift_right_logical3A_476 : vector<16xi32>
        %swap3A_478 = arith.constant 0 : i32
        %swap3A_479 = arith.index_cast %swap3A_478 : i32 to index
        %swap3A_480 = arith.constant 48 : index
        %swap3A_481 = tpu.vector_load %arg7[%swap3A_479, %swap3A_480] {strides = array<i32>} : memref<2x128xi32, #tpu.memory_space<vmem>>, vector<1x16xi32>,
        %swap3A_482 = vector.shape_cast %swap3A_481 : vector<1x16xi32> to vector<16xi32>
        %swap3A_483 = vector.shape_cast %shift_right_logical3A_477 : vector<16xi32> to vector<1x16xi32>
        tpu.vector_store %arg7[%swap3A_479, %swap3A_480], %swap3A_483 {strides = array<i32>} : memref<2x128xi32, #tpu.memory_space<vmem>>, vector<1x16xi32>,
        %and3A_484 = arith.constant 16383 : i32
        %and3A_485 = vector.broadcast %and3A_484 : i32 to vector<16xi32>
        %and3A_486 = arith.andi %get3A_474, %and3A_485 : vector<16xi32>
        %swap3A_487 = arith.constant 0 : i32
        %swap3A_488 = arith.index_cast %swap3A_487 : i32 to index
        %swap3A_489 = arith.constant 48 : index
        %swap3A_490 = tpu.vector_load %arg8[%swap3A_488, %swap3A_489] {strides = array<i32>} : memref<2x128xi32, #tpu.memory_space<vmem>>, vector<1x16xi32>,
        %swap3A_491 = vector.shape_cast %swap3A_490 : vector<1x16xi32> to vector<16xi32>
        %swap3A_492 = vector.shape_cast %and3A_486 : vector<16xi32> to vector<1x16xi32>
        tpu.vector_store %arg8[%swap3A_488, %swap3A_489], %swap3A_492 {strides = array<i32>} : memref<2x128xi32, #tpu.memory_space<vmem>>, vector<1x16xi32>,
        %get3A_493 = arith.index_cast %add3A_404 : i32 to index
        %get3A_494 = arith.constant 64 : index
        %get3A_495 = tpu.vector_load %arg6[%get3A_493, %get3A_494] {strides = array<i32>} : memref<80x128xi32, #tpu.memory_space<vmem>>, vector<1x16xi32>,
        %get3A_496 = vector.shape_cast %get3A_495 : vector<1x16xi32> to vector<16xi32>
        %shift_right_logical3A_497 = arith.constant 14 : i32
        %shift_right_logical3A_498 = vector.broadcast %shift_right_logical3A_497 : i32 to vector<16xi32>
        %shift_right_logical3A_499 = arith.shrui %get3A_496, %shift_right_logical3A_498 : vector<16xi32>
        %swap3A_500 = arith.constant 0 : i32
        %swap3A_501 = arith.index_cast %swap3A_500 : i32 to index
        %swap3A_502 = arith.constant 64 : index
        %swap3A_503 = tpu.vector_load %arg7[%swap3A_501, %swap3A_502] {strides = array<i32>} : memref<2x128xi32, #tpu.memory_space<vmem>>, vector<1x16xi32>,
        %swap3A_504 = vector.shape_cast %swap3A_503 : vector<1x16xi32> to vector<16xi32>
        %swap3A_505 = vector.shape_cast %shift_right_logical3A_499 : vector<16xi32> to vector<1x16xi32>
        tpu.vector_store %arg7[%swap3A_501, %swap3A_502], %swap3A_505 {strides = array<i32>} : memref<2x128xi32, #tpu.memory_space<vmem>>, vector<1x16xi32>,
        %and3A_506 = arith.constant 16383 : i32
        %and3A_507 = vector.broadcast %and3A_506 : i32 to vector<16xi32>
        %and3A_508 = arith.andi %get3A_496, %and3A_507 : vector<16xi32>
        %swap3A_509 = arith.constant 0 : i32
        %swap3A_510 = arith.index_cast %swap3A_509 : i32 to index
        %swap3A_511 = arith.constant 64 : index
        %swap3A_512 = tpu.vector_load %arg8[%swap3A_510, %swap3A_511] {strides = array<i32>} : memref<2x128xi32, #tpu.memory_space<vmem>>, vector<1x16xi32>,
        %swap3A_513 = vector.shape_cast %swap3A_512 : vector<1x16xi32> to vector<16xi32>
        %swap3A_514 = vector.shape_cast %and3A_508 : vector<16xi32> to vector<1x16xi32>
        tpu.vector_store %arg8[%swap3A_510, %swap3A_511], %swap3A_514 {strides = array<i32>} : memref<2x128xi32, #tpu.memory_space<vmem>>, vector<1x16xi32>,
        %get3A_515 = arith.index_cast %add3A_404 : i32 to index
        %get3A_516 = arith.constant 80 : index
        %get3A_517 = tpu.vector_load %arg6[%get3A_515, %get3A_516] {strides = array<i32>} : memref<80x128xi32, #tpu.memory_space<vmem>>, vector<1x16xi32>,
        %get3A_518 = vector.shape_cast %get3A_517 : vector<1x16xi32> to vector<16xi32>
        %shift_right_logical3A_519 = arith.constant 14 : i32
        %shift_right_logical3A_520 = vector.broadcast %shift_right_logical3A_519 : i32 to vector<16xi32>
        %shift_right_logical3A_521 = arith.shrui %get3A_518, %shift_right_logical3A_520 : vector<16xi32>
        %swap3A_522 = arith.constant 0 : i32
        %swap3A_523 = arith.index_cast %swap3A_522 : i32 to index
        %swap3A_524 = arith.constant 80 : index
        %swap3A_525 = tpu.vector_load %arg7[%swap3A_523, %swap3A_524] {strides = array<i32>} : memref<2x128xi32, #tpu.memory_space<vmem>>, vector<1x16xi32>,
        %swap3A_526 = vector.shape_cast %swap3A_525 : vector<1x16xi32> to vector<16xi32>
        %swap3A_527 = vector.shape_cast %shift_right_logical3A_521 : vector<16xi32> to vector<1x16xi32>
        tpu.vector_store %arg7[%swap3A_523, %swap3A_524], %swap3A_527 {strides = array<i32>} : memref<2x128xi32, #tpu.memory_space<vmem>>, vector<1x16xi32>,
        %and3A_528 = arith.constant 16383 : i32
        %and3A_529 = vector.broadcast %and3A_528 : i32 to vector<16xi32>
        %and3A_530 = arith.andi %get3A_518, %and3A_529 : vector<16xi32>
        %swap3A_531 = arith.constant 0 : i32
        %swap3A_532 = arith.index_cast %swap3A_531 : i32 to index
        %swap3A_533 = arith.constant 80 : index
        %swap3A_534 = tpu.vector_load %arg8[%swap3A_532, %swap3A_533] {strides = array<i32>} : memref<2x128xi32, #tpu.memory_space<vmem>>, vector<1x16xi32>,
        %swap3A_535 = vector.shape_cast %swap3A_534 : vector<1x16xi32> to vector<16xi32>
        %swap3A_536 = vector.shape_cast %and3A_530 : vector<16xi32> to vector<1x16xi32>
        tpu.vector_store %arg8[%swap3A_532, %swap3A_533], %swap3A_536 {strides = array<i32>} : memref<2x128xi32, #tpu.memory_space<vmem>>, vector<1x16xi32>,
        %get3A_537 = arith.index_cast %add3A_404 : i32 to index
        %get3A_538 = arith.constant 96 : index
        %get3A_539 = tpu.vector_load %arg6[%get3A_537, %get3A_538] {strides = array<i32>} : memref<80x128xi32, #tpu.memory_space<vmem>>, vector<1x16xi32>,
        %get3A_540 = vector.shape_cast %get3A_539 : vector<1x16xi32> to vector<16xi32>
        %shift_right_logical3A_541 = arith.constant 14 : i32
        %shift_right_logical3A_542 = vector.broadcast %shift_right_logical3A_541 : i32 to vector<16xi32>
        %shift_right_logical3A_543 = arith.shrui %get3A_540, %shift_right_logical3A_542 : vector<16xi32>
        %swap3A_544 = arith.constant 0 : i32
        %swap3A_545 = arith.index_cast %swap3A_544 : i32 to index
        %swap3A_546 = arith.constant 96 : index
        %swap3A_547 = tpu.vector_load %arg7[%swap3A_545, %swap3A_546] {strides = array<i32>} : memref<2x128xi32, #tpu.memory_space<vmem>>, vector<1x16xi32>,
        %swap3A_548 = vector.shape_cast %swap3A_547 : vector<1x16xi32> to vector<16xi32>
        %swap3A_549 = vector.shape_cast %shift_right_logical3A_543 : vector<16xi32> to vector<1x16xi32>
        tpu.vector_store %arg7[%swap3A_545, %swap3A_546], %swap3A_549 {strides = array<i32>} : memref<2x128xi32, #tpu.memory_space<vmem>>, vector<1x16xi32>,
        %and3A_550 = arith.constant 16383 : i32
        %and3A_551 = vector.broadcast %and3A_550 : i32 to vector<16xi32>
        %and3A_552 = arith.andi %get3A_540, %and3A_551 : vector<16xi32>
        %swap3A_553 = arith.constant 0 : i32
        %swap3A_554 = arith.index_cast %swap3A_553 : i32 to index
        %swap3A_555 = arith.constant 96 : index
        %swap3A_556 = tpu.vector_load %arg8[%swap3A_554, %swap3A_555] {strides = array<i32>} : memref<2x128xi32, #tpu.memory_space<vmem>>, vector<1x16xi32>,
        %swap3A_557 = vector.shape_cast %swap3A_556 : vector<1x16xi32> to vector<16xi32>
        %swap3A_558 = vector.shape_cast %and3A_552 : vector<16xi32> to vector<1x16xi32>
        tpu.vector_store %arg8[%swap3A_554, %swap3A_555], %swap3A_558 {strides = array<i32>} : memref<2x128xi32, #tpu.memory_space<vmem>>, vector<1x16xi32>,
        %get3A_559 = arith.index_cast %add3A_404 : i32 to index
        %get3A_560 = arith.constant 112 : index
        %get3A_561 = tpu.vector_load %arg6[%get3A_559, %get3A_560] {strides = array<i32>} : memref<80x128xi32, #tpu.memory_space<vmem>>, vector<1x16xi32>,
        %get3A_562 = vector.shape_cast %get3A_561 : vector<1x16xi32> to vector<16xi32>
        %shift_right_logical3A_563 = arith.constant 14 : i32
        %shift_right_logical3A_564 = vector.broadcast %shift_right_logical3A_563 : i32 to vector<16xi32>
        %shift_right_logical3A_565 = arith.shrui %get3A_562, %shift_right_logical3A_564 : vector<16xi32>
        %swap3A_566 = arith.constant 0 : i32
        %swap3A_567 = arith.index_cast %swap3A_566 : i32 to index
        %swap3A_568 = arith.constant 112 : index
        %swap3A_569 = tpu.vector_load %arg7[%swap3A_567, %swap3A_568] {strides = array<i32>} : memref<2x128xi32, #tpu.memory_space<vmem>>, vector<1x16xi32>,
        %swap3A_570 = vector.shape_cast %swap3A_569 : vector<1x16xi32> to vector<16xi32>
        %swap3A_571 = vector.shape_cast %shift_right_logical3A_565 : vector<16xi32> to vector<1x16xi32>
        tpu.vector_store %arg7[%swap3A_567, %swap3A_568], %swap3A_571 {strides = array<i32>} : memref<2x128xi32, #tpu.memory_space<vmem>>, vector<1x16xi32>,
        %and3A_572 = arith.constant 16383 : i32
        %and3A_573 = vector.broadcast %and3A_572 : i32 to vector<16xi32>
        %and3A_574 = arith.andi %get3A_562, %and3A_573 : vector<16xi32>
        %swap3A_575 = arith.constant 0 : i32
        %swap3A_576 = arith.index_cast %swap3A_575 : i32 to index
        %swap3A_577 = arith.constant 112 : index
        %swap3A_578 = tpu.vector_load %arg8[%swap3A_576, %swap3A_577] {strides = array<i32>} : memref<2x128xi32, #tpu.memory_space<vmem>>, vector<1x16xi32>,
        %swap3A_579 = vector.shape_cast %swap3A_578 : vector<1x16xi32> to vector<16xi32>
        %swap3A_580 = vector.shape_cast %and3A_574 : vector<16xi32> to vector<1x16xi32>
        tpu.vector_store %arg8[%swap3A_576, %swap3A_577], %swap3A_580 {strides = array<i32>} : memref<2x128xi32, #tpu.memory_space<vmem>>, vector<1x16xi32>,
        %dma_start3A_581 = arith.constant 0 : i32
        %dma_start3A_582 = arith.constant 0 : i32
        %dma_start3A_583 = tpu.memref_slice %arg7[%dma_start3A_581, %dma_start3A_582] : memref<2x128xi32, #tpu.memory_space<vmem>> -> memref<1x128xi32, #tpu.memory_space<vmem>>
        %dma_start3A_584 = tpu.memref_squeeze %dma_start3A_583 : memref<1x128xi32, #tpu.memory_space<vmem>> -> memref<128xi32, #tpu.memory_space<vmem>>
        %dma_start3A_585 = arith.constant 0 : i32
        %dma_start3A_586 = arith.constant 0 : i32
        %dma_start3A_587 = tpu.memref_slice %arg2[%dma_start3A_585, %dma_start3A_586] : memref<10000x128xf32, #tpu.memory_space<hbm>> -> memref<10000x128xf32, #tpu.memory_space<hbm>>
        tpu.enqueue_indirect_dma source(%dma_start3A_587 : memref<10000x128xf32, #tpu.memory_space<hbm>>) target(%arg9 : memref<128x128xf32, #tpu.memory_space<vmem>>) offsets(%dma_start3A_584 : memref<128xi32, #tpu.memory_space<vmem>>) semaphore(%arg12 : memref<!tpu.dma_semaphore, #tpu.memory_space<semaphore_mem>>)
      } else {
      }
      %dma_wait3A_395 = arith.constant 1 : i32
      %dma_wait3A_396 = arith.constant 0 : i32
      %dma_wait3A_397 = tpu.memref_slice %arg7[%dma_wait3A_395, %dma_wait3A_396] : memref<2x128xi32, #tpu.memory_space<vmem>> -> memref<1x128xi32, #tpu.memory_space<vmem>>
      %dma_wait3A_398 = tpu.memref_squeeze %dma_wait3A_397 : memref<1x128xi32, #tpu.memory_space<vmem>> -> memref<128xi32, #tpu.memory_space<vmem>>
      %dma_wait3A_399 = arith.constant 0 : i32
      %dma_wait3A_400 = arith.constant 0 : i32
      %dma_wait3A_401 = tpu.memref_slice %arg2[%dma_wait3A_399, %dma_wait3A_400] : memref<10000x128xf32, #tpu.memory_space<hbm>> -> memref<10000x128xf32, #tpu.memory_space<hbm>>
      tpu.wait_indirect_dma semaphore(%arg13 : memref<!tpu.dma_semaphore, #tpu.memory_space<semaphore_mem>>) src(%dma_wait3A_401 : memref<10000x128xf32, #tpu.memory_space<hbm>>) dst(%arg10 : memref<128x128xf32, #tpu.memory_space<vmem>>)
      %run_scoped3A_402 = arith.constant 1 : i32
      "tpu.region"() ({
        %run_scoped3A_403 = tpu.sem_alloc : memref<!tpu.dma_semaphore, #tpu.memory_space<semaphore_mem>>
        %dma_start3A_404 = arith.constant 0 : i32
        %dma_start3A_405 = tpu.memref_slice %arg8[%run_scoped3A_402, %dma_start3A_404] : memref<2x128xi32, #tpu.memory_space<vmem>> -> memref<1x128xi32, #tpu.memory_space<vmem>>
        %dma_start3A_406 = tpu.memref_squeeze %dma_start3A_405 : memref<1x128xi32, #tpu.memory_space<vmem>> -> memref<128xi32, #tpu.memory_space<vmem>>
        %dma_start3A_407 = arith.constant 0 : i32
        %dma_start3A_408 = arith.constant 0 : i32
        %dma_start3A_409 = tpu.memref_slice %arg11[%dma_start3A_407, %dma_start3A_408] : memref<10112x128xf32, #tpu.memory_space<vmem_shared>> -> memref<10112x128xf32, #tpu.memory_space<vmem_shared>>
        tpu.enqueue_indirect_dma source(%arg10 : memref<128x128xf32, #tpu.memory_space<vmem>>) target(%dma_start3A_409 : memref<10112x128xf32, #tpu.memory_space<vmem_shared>>) offsets(%dma_start3A_406 : memref<128xi32, #tpu.memory_space<vmem>>) semaphore(%run_scoped3A_403 : memref<!tpu.dma_semaphore, #tpu.memory_space<semaphore_mem>>) {add = true}
        %dma_wait3A_410 = arith.constant 0 : i32
        %dma_wait3A_411 = tpu.memref_slice %arg8[%run_scoped3A_402, %dma_wait3A_410] : memref<2x128xi32, #tpu.memory_space<vmem>> -> memref<1x128xi32, #tpu.memory_space<vmem>>
        %dma_wait3A_412 = tpu.memref_squeeze %dma_wait3A_411 : memref<1x128xi32, #tpu.memory_space<vmem>> -> memref<128xi32, #tpu.memory_space<vmem>>
        %dma_wait3A_413 = arith.constant 0 : i32
        %dma_wait3A_414 = arith.constant 0 : i32
        %dma_wait3A_415 = tpu.memref_slice %arg11[%dma_wait3A_413, %dma_wait3A_414] : memref<10112x128xf32, #tpu.memory_space<vmem_shared>> -> memref<10112x128xf32, #tpu.memory_space<vmem_shared>>
        tpu.wait_indirect_dma semaphore(%run_scoped3A_403 : memref<!tpu.dma_semaphore, #tpu.memory_space<semaphore_mem>>) src(%arg10 : memref<128x128xf32, #tpu.memory_space<vmem>>) dst(%dma_wait3A_415 : memref<10112x128xf32, #tpu.memory_space<vmem_shared>>)
        tpu.yield
      }) : () -> ()
    }
    %scan3A_193 = arith.constant 40 : i32
    %barrier3A_194 = arith.constant 0 : index
    tpu.barrier barrier_id(%barrier3A_194)
    %mul3A_195 = arith.constant 632 : i32
    %mul3A_196 = arith.muli %arg1, %mul3A_195 : i32
    %mul3A_197 = arith.constant 632 : i32
    %mul3A_198 = arith.muli %arg1, %mul3A_197 : i32
    "tpu.region"() ({
      %run_scoped3A = tpu.sem_alloc : memref<!tpu.dma_semaphore, #tpu.memory_space<semaphore_mem>>
      %dma_start3A_199 = arith.constant 0 : i32
      %dma_start3A_200 = tpu.memref_slice %arg5[%arg0, %mul3A_198, %dma_start3A_199] : memref<2x10112x128xf32, #tpu.memory_space<hbm>> -> memref<1x632x128xf32, #tpu.memory_space<hbm>>
      %dma_start3A_201 = tpu.memref_squeeze %dma_start3A_200 : memref<1x632x128xf32, #tpu.memory_space<hbm>> -> memref<632x128xf32, #tpu.memory_space<hbm>>
      %dma_start3A_202 = arith.constant 0 : i32
      %dma_start3A_203 = tpu.memref_slice %arg11[%mul3A_196, %dma_start3A_202] : memref<10112x128xf32, #tpu.memory_space<vmem_shared>> -> memref<632x128xf32, #tpu.memory_space<vmem_shared>>
      tpu.enqueue_dma source(%dma_start3A_203 : memref<632x128xf32, #tpu.memory_space<vmem_shared>>) target(%dma_start3A_201 : memref<632x128xf32, #tpu.memory_space<hbm>>) target_semaphore(%run_scoped3A : memref<!tpu.dma_semaphore, #tpu.memory_space<semaphore_mem>>)
      %dma_wait3A = arith.constant 0 : i32
      %dma_wait3A_204 = tpu.memref_slice %arg5[%arg0, %mul3A_198, %dma_wait3A] : memref<2x10112x128xf32, #tpu.memory_space<hbm>> -> memref<1x632x128xf32, #tpu.memory_space<hbm>>
      %dma_wait3A_205 = tpu.memref_squeeze %dma_wait3A_204 : memref<1x632x128xf32, #tpu.memory_space<hbm>> -> memref<632x128xf32, #tpu.memory_space<hbm>>
      %dma_wait3A_206 = arith.constant 0 : i32
      %dma_wait3A_207 = tpu.memref_slice %arg11[%mul3A_196, %dma_wait3A_206] : memref<10112x128xf32, #tpu.memory_space<vmem_shared>> -> memref<632x128xf32, #tpu.memory_space<vmem_shared>>
      tpu.wait_dma2 semaphore(%run_scoped3A : memref<!tpu.dma_semaphore, #tpu.memory_space<semaphore_mem>>) src(%dma_wait3A_207 : memref<632x128xf32, #tpu.memory_space<vmem_shared>>) dst(%dma_wait3A_205 : memref<632x128xf32, #tpu.memory_space<hbm>>)
      tpu.yield
    }) : () -> ()
    return
  }
}

module attributes {stable_mosaic.version = 14 : i64} {
  func.func @_tc_body(%arg0: i32, %arg1: memref<2x1264x128xf32, #tpu.memory_space<vmem>>, %arg2: memref<2x1264x128xf32, #tpu.memory_space<vmem>>, %arg3: memref<128x128xf32, #tpu.memory_space<vmem>>, %arg4: memref<1x128xf32, #tpu.memory_space<vmem>>, %arg5: memref<1264x128xf32, #tpu.memory_space<vmem>>) attributes {dimension_semantics = [#tpu.dimension_semantics<arbitrary>], iteration_bounds = array<i64: 8>, scalar_prefetch = 0 : i64, scratch_operands = 0 : i64, tpu.core_type = #tpu.core_type<tc>, window_params = [{transform_indices = @transform_0, window_bounds = array<i64: 2, 1264, 128>}, {transform_indices = @transform_1, window_bounds = array<i64: 2, 1264, 128>}, {pipeline_mode = #tpu.pipeline_mode<synchronous>, transform_indices = @transform_2, window_bounds = array<i64: 128, 128>}, {pipeline_mode = #tpu.pipeline_mode<synchronous>, transform_indices = @transform_3, window_bounds = array<i64: 1, 128>}, {transform_indices = @transform_4, window_bounds = array<i64: 1264, 128>}]} {
    %get3A = arith.constant 0 : index
    %get3A_0 = arith.constant 0 : index
    %get3A_1 = arith.constant 0 : index
    %get3A_2 = vector.load %arg1[%get3A, %get3A_0, %get3A_1] : memref<2x1264x128xf32, #tpu.memory_space<vmem>>, vector<1x1264x128xf32>
    %get3A_3 = vector.shape_cast %get3A_2 : vector<1x1264x128xf32> to vector<1264x128xf32>
    %get3A_4 = arith.constant 1 : index
    %get3A_5 = arith.constant 0 : index
    %get3A_6 = arith.constant 0 : index
    %get3A_7 = vector.load %arg1[%get3A_4, %get3A_5, %get3A_6] : memref<2x1264x128xf32, #tpu.memory_space<vmem>>, vector<1x1264x128xf32>
    %get3A_8 = vector.shape_cast %get3A_7 : vector<1x1264x128xf32> to vector<1264x128xf32>
    %add3A = arith.addf %get3A_3, %get3A_8 : vector<1264x128xf32>
    %get3A_9 = arith.constant 0 : index
    %get3A_10 = arith.constant 0 : index
    %get3A_11 = vector.load %arg3[%get3A_9, %get3A_10] : memref<128x128xf32, #tpu.memory_space<vmem>>, vector<128x128xf32>
    %dot_general3A = arith.constant dense<0.000000e+00> : vector<1264x128xf32>
    %dot_general3A_12 = tpu.matmul %add3A, %get3A_11, %dot_general3A {dimension_numbers = #tpu.dot_dimension_numbers<[1], [0], [0], [1], [0, 0, 1, 1], [], []>, transpose_lhs_hint = false} : vector<1264x128xf32>, vector<128x128xf32>, vector<1264x128xf32> -> vector<1264x128xf32>
    %get3A_13 = arith.constant 0 : index
    %get3A_14 = arith.constant 0 : index
    %get3A_15 = arith.constant 0 : index
    %get3A_16 = vector.load %arg2[%get3A_13, %get3A_14, %get3A_15] : memref<2x1264x128xf32, #tpu.memory_space<vmem>>, vector<1x1264x128xf32>
    %get3A_17 = vector.shape_cast %get3A_16 : vector<1x1264x128xf32> to vector<1264x128xf32>
    %get3A_18 = arith.constant 1 : index
    %get3A_19 = arith.constant 0 : index
    %get3A_20 = arith.constant 0 : index
    %get3A_21 = vector.load %arg2[%get3A_18, %get3A_19, %get3A_20] : memref<2x1264x128xf32, #tpu.memory_space<vmem>>, vector<1x1264x128xf32>
    %get3A_22 = vector.shape_cast %get3A_21 : vector<1x1264x128xf32> to vector<1264x128xf32>
    %add3A_23 = arith.addf %get3A_17, %get3A_22 : vector<1264x128xf32>
    %slice3A = vector.extract_strided_slice %add3A_23 {offsets = [0, 0], sizes = [1264, 1], strides = [1, 1]} : vector<1264x128xf32> to vector<1264x1xf32>
    %max3A = arith.constant 1.000000e+00 : f32
    %max3A_24 = vector.broadcast %max3A : f32 to vector<1264x1xf32>
    %max3A_25 = arith.maximumf %slice3A, %max3A_24 : vector<1264x1xf32>
    %rsqrt3A = math.rsqrt %max3A_25 : vector<1264x1xf32>
    %mul3A = vector.broadcast %rsqrt3A : vector<1264x1xf32> to vector<1264x128xf32>
    %mul3A_26 = arith.mulf %dot_general3A_12, %mul3A : vector<1264x128xf32>
    %get3A_27 = arith.constant 0 : index
    %get3A_28 = arith.constant 0 : index
    %get3A_29 = vector.load %arg4[%get3A_27, %get3A_28] : memref<1x128xf32, #tpu.memory_space<vmem>>, vector<1x128xf32>
    %add3A_30 = vector.broadcast %get3A_29 : vector<1x128xf32> to vector<1264x128xf32>
    %add3A_31 = arith.addf %mul3A_26, %add3A_30 : vector<1264x128xf32>
    %swap3A = arith.constant 0 : index
    %swap3A_32 = arith.constant 0 : index
    %swap3A_33 = vector.load %arg5[%swap3A, %swap3A_32] : memref<1264x128xf32, #tpu.memory_space<vmem>>, vector<1264x128xf32>
    tpu.vector_store %arg5[%swap3A, %swap3A_32], %add3A_31 {strides = array<i32>} : memref<1264x128xf32, #tpu.memory_space<vmem>>, vector<1264x128xf32>,
    return
  }
  func.func @transform_0(%arg0: i32) -> (i32, i32, i32) {
    %c0_i32 = arith.constant 0 : i32
    %c0_i32_0 = arith.constant 0 : i32
    %c0_i32_1 = arith.constant 0 : i32
    return %c0_i32, %arg0, %c0_i32_0 : i32, i32, i32
  }
  func.func @transform_1(%arg0: i32) -> (i32, i32, i32) {
    %c0_i32 = arith.constant 0 : i32
    %c0_i32_0 = arith.constant 0 : i32
    %c0_i32_1 = arith.constant 0 : i32
    return %c0_i32, %arg0, %c0_i32_0 : i32, i32, i32
  }
  func.func @transform_2(%arg0: i32) -> (i32, i32) {
    %c0_i32 = arith.constant 0 : i32
    %c0_i32_0 = arith.constant 0 : i32
    %c0_i32_1 = arith.constant 0 : i32
    return %c0_i32, %c0_i32_0 : i32, i32
  }
  func.func @transform_3(%arg0: i32) -> (i32, i32) {
    %c0_i32 = arith.constant 0 : i32
    %c0_i32_0 = arith.constant 0 : i32
    %c0_i32_1 = arith.constant 0 : i32
    return %c0_i32, %c0_i32_0 : i32, i32
  }
  func.func @transform_4(%arg0: i32) -> (i32, i32) {
    %c0_i32 = arith.constant 0 : i32
    %c0_i32_0 = arith.constant 0 : i32
    return %arg0, %c0_i32 : i32, i32
  }
}

</mosaic_0001>

<sc_bundles>
// kernel: kernel.5.cloned.1.call-start
scs
__scs_entry_jumppad:
0x0: {  	(pc) =	sbr.rel $0x88, $3  }
0x1: {  	(tag) =	ssettag $0x0;
	lr =	simm.s32 $0x1  }
0x2: {  	[smem:$0x3F9D] =	sst lr;
	_ =	strace $0xD0000000  }
0x3: {  	_ = 	snop  }
0x4: {  	_ = 	snop  }
0x5: {  	_ = 	snop  }
0x6: {  	_ = 	snop  }
0x7: {  	_ = 	snop  }
__scs_overlays_trampoline_lowered:
0x8: {  	[smem:$0x3FAC] =	sst s0  }
0x9: {  	[smem:$0x3FAD] =	sst s1  }
0xa: {  	[smem:$0x3FAE] =	sst s2  }
0xb: {  	[smem:$0x3FAF] =	sst s3  }
0xc: {  	[smem:$0x3FB0] =	sst s4  }
0xd: {  	[smem:$0x3FB1] =	sst s5  }
0xe: {  	[smem:$0x3FB2] =	sst s6  }
0xf: {  	[smem:$0x3FB3] =	sst s7  }
0x10: {  	[smem:$0x3FB4] =	sst s8  }
0x11: {  	[smem:$0x3FB5] =	sst s9;
	s0 =	simm.s32 @!p0 $0x0  }
0x12: {  	s1 =	sld [smem:$0x3F9B];
	s0 =	simm.s32 @p0 $0x1  }
0x13: {  	[smem:$0x3FB6] =	sst s0;
	s0 =	simm.s32 @!p1 $0x0  }
0x14: {  	s2 =	sld [smem:$0x3F9A];
	s0 =	simm.s32 @p1 $0x1  }
0x15: {  	[smem:$0x3FB7] =	sst s0;
	s0 =	simm.s32 @!p2 $0x0  }
0x16: {  	s3 =	sld [smem:$0x3FDB];
	s0 =	simm.s32 @p2 $0x1  }
0x17: {  	s4 =	simm.s32 $0x1BF5;
	[smem:$0x3FB9] =	sst s0  }
0x18: {  	s0 =	sld [smem:$0x3F9C];
	_ =	swait.ge [sflag:s4], $0x0  }
0x19: {  	s7 =	sld [smem:$0x3F9D]  }
0x1a: {  	s8 =	sadd.s32 $0xFFFFE003, lr  }
0x1b: {  	s9 =	sadd.s32 $0xFFFFFEF7, lr;
	s5 =	simm.s32 $0xFFFFFFFF;
	p2 =	slt.u32 s8, $0xFFFFF086  }
0x1c: {  	p1 =	slt.u32 s9, $0xF7A;
	s5 =	simm.s32 @!p2 $0x0  }
0x1d: {  	s5 =	simm.s32 @p1 $0x1;
	p0 =	seq.s32 s7, s2  }
0x1e: {  	s7 =	smul.u32 @!p0 $0xF7A, s2;
	p2 =	seq.s32 @!p0 s5, $0x0  }
0x1f: {  	s9 =	smul.u32 $0xF7A, s1;
	s8 =	simm.s32 @!p0 $0x1BF5;
	p2 =	por !p2, p0  }
0x20: {  	[sflag:s8] =	ssyncset.s32 @!p0 $0xFFFFF086;
	s6 =	sadd.s32 @!p0 s3, s7;
	s7 =	simm.s32 @!p0 $0x108  }
0x21: {  	s3 =	sadd.s32 s3, s9;
	s6 =	sadd.s32 @!p0 $0x88, s6;
	s7 =	simm.s32 @p2 $0x1082  }
0x22: {  	[simem:s7], [sflag:s8] =	dma.local @!p0 [hbm:s6], $0xF7A  }
0x23: {  	s9 =	sor.u32 $0xD0000000, s2;
	s6 =	simm.s32 $0x108;
	_ =	swait.ge @!p0 [sflag:s8], $0x0  }
0x24: {  	s3 =	sadd.s32 $0x88, s3;
	s6 =	simm.s32 @!p1 $0x1082;
	[sflag:s4] =	ssyncset.s32 $0xFFFFF086  }
0x25: {  	[simem:s6], [sflag:s4] =	dma.local [hbm:s3], $0xF7A  }
0x26: {  	[smem:$0x3F9D] =	sst s1;
	(tag) =	ssettag s2;
	_ =	strace s9  }
0x27: {  	s1 =	sld [smem:$0x3FAD]  }
0x28: {  	s2 =	sld [smem:$0x3FAE]  }
0x29: {  	s4 =	sld [smem:$0x3FB0]  }
0x2a: {  	p0 =	seq.s32 s5, $0x0;
	s5 =	sld [smem:$0x3FB1]  }
0x2b: {  	s6 =	sld [smem:$0x3FB2]  }
0x2c: {  	s7 =	sld [smem:$0x3FB3]  }
0x2d: {  	s3 =	simm.s32 $0x108;
	s8 =	sld [smem:$0x3FB4]  }
0x2e: {  	s3 =	simm.s32 @!p0 $0x1082;
	s9 =	sld [smem:$0x3FB5]  }
0x2f: {  	lr =	sadd.s32 s0, s3;
	s0 =	sld [smem:$0x3FAC]  }
0x30: {  	s3 =	sld [smem:$0x3FAF]  }
0x31: {  	[smem:$0x3FB8] =	sst s10  }
0x32: {  	s10 =	sld [smem:$0x3FB6];
	_ =	sdelay $0x3  }
0x33: {  	p0 =	seq.s32 s10, $0x1;
	s10 =	sld [smem:$0x3FB8];
	_ =	sdelay $0x3  }
0x34: {  	[smem:$0x3FB8] =	sst s10  }
0x35: {  	s10 =	sld [smem:$0x3FB7];
	_ =	sdelay $0x3  }
0x36: {  	p1 =	seq.s32 s10, $0x1;
	s10 =	sld [smem:$0x3FB8];
	_ =	sdelay $0x3  }
0x37: {  	[smem:$0x3FB8] =	sst s10  }
0x38: {  	s10 =	sld [smem:$0x3FB9]  }
0x39: {  	_ = 	snop;
	(pc) =	sbr.ind lr, $3  }
0x3a: {  	_ = 	snop  }
0x3b: {  	_ = 	snop  }
0x3c: {  	p2 =	seq.s32 s10, $0x1;
	s10 =	sld [smem:$0x3FB8]  }
0x3d: {  	_ =	shalt  }
0x3e: {  	_ =	shalt  }
0x3f: {  	_ =	shalt  }
0x40: {  	_ =	shalt  }
0x41: {  	_ =	shalt  }
0x42: {  	_ =	shalt  }
0x43: {  	_ =	shalt  }
0x44: {  	_ =	shalt  }
0x45: {  	_ =	shalt  }
0x46: {  	_ =	shalt  }
0x47: {  	_ =	shalt  }
0x48: {  	_ =	shalt  }
0x49: {  	_ =	shalt  }
0x4a: {  	_ =	shalt  }
0x4b: {  	_ =	shalt  }
0x4c: {  	_ =	shalt  }
0x4d: {  	_ =	shalt  }
0x4e: {  	_ =	shalt  }
0x4f: {  	_ =	shalt  }
0x50: {  	_ =	shalt  }
0x51: {  	_ =	shalt  }
0x52: {  	_ =	shalt  }
0x53: {  	_ =	shalt  }
0x54: {  	_ =	shalt  }
0x55: {  	_ =	shalt  }
0x56: {  	_ =	shalt  }
0x57: {  	_ =	shalt  }
0x58: {  	_ =	shalt  }
0x59: {  	_ =	shalt  }
0x5a: {  	_ =	shalt  }
0x5b: {  	_ =	shalt  }
0x5c: {  	_ =	shalt  }
0x5d: {  	_ =	shalt  }
0x5e: {  	_ =	shalt  }
0x5f: {  	_ =	shalt  }
0x60: {  	_ =	shalt  }
0x61: {  	_ =	shalt  }
0x62: {  	_ =	shalt  }
0x63: {  	_ =	shalt  }
0x64: {  	_ =	shalt  }
0x65: {  	_ =	shalt  }
0x66: {  	_ =	shalt  }
0x67: {  	_ =	shalt  }
0x68: {  	_ =	shalt  }
0x69: {  	_ =	shalt  }
0x6a: {  	_ =	shalt  }
0x6b: {  	_ =	shalt  }
0x6c: {  	_ =	shalt  }
0x6d: {  	_ =	shalt  }
0x6e: {  	_ =	shalt  }
0x6f: {  	_ =	shalt  }
0x70: {  	_ =	shalt  }
0x71: {  	_ =	shalt  }
0x72: {  	_ =	shalt  }
0x73: {  	_ =	shalt  }
0x74: {  	_ =	shalt  }
0x75: {  	_ =	shalt  }
0x76: {  	_ =	shalt  }
0x77: {  	_ =	shalt  }
0x78: {  	_ =	shalt  }
0x79: {  	_ =	shalt  }
0x7a: {  	_ =	shalt  }
0x7b: {  	_ =	shalt  }
0x7c: {  	_ =	shalt  }
0x7d: {  	_ =	shalt  }
0x7e: {  	_ =	shalt  }
0x7f: {  	_ =	shalt  }
0x80: {  	_ =	shalt  }
0x81: {  	_ =	shalt  }
0x82: {  	_ =	shalt  }
0x83: {  	_ =	shalt  }
0x84: {  	_ =	shalt  }
0x85: {  	_ =	shalt  }
0x86: {  	_ =	shalt  }
0x87: {  	_ =	shalt  }
.Lfunc_end0:
.L_simem_size_0:
called_computation_lowered:
.L_overlay_start_0:
0x88: {  	s2 =	sld [smem:$0x3FD9]  }
0x89: {  	s3 =	sld [smem:$0x3FFE];
	_ =	sdelay $0x1  }
0x8a: {  	s1 =	srdreg.scid  }
0x8b: {  	s0 =	sand.u32 $0x1, s1  }
0x8c: {  	s17 =	sshll.u32 s0, $0xA;
	s2 =	sadd.s32 s3, s2  }
0x8d: {  	s2 =	sadd.s32 s2, s17  }
0x8e: {  	[smem:$0x3FC4] =	sst s2  }
0x8f: {  	_ = 	snop  }
0x90: {  	s18 =	sld [smem:$0x3FC9]  }
0x91: {  	s4 =	sld [smem:$0x3FD0];
	(tm) =	ssettm $0x1  }
0x92: {  	s19 =	sld [smem:$0x3FFB];
	_ =	sdelay $0x3  }
0x93: {  	_ =	strace s19  }
0x94: {  	s2 =	sld [smem:$0x3FFC];
	_ =	sdelay $0x3  }
0x95: {  	_ =	strace s2  }
0x96: {  	s2 =	sld [smem:$0x3FFD];
	_ =	sdelay $0x3  }
0x97: {  	_ =	strace s2  }
0x98: {  	_ =	strace $0x8FFFFFFF  }
0x99: {  	s20 =	sld [smem:$0x3FDB];
	_ =	sdelay $0x1  }
0x9a: {  	s5 =	simm.s32 $_scs_section_size  }
0x9b: {  	s6 =	simm.s32 $_size__tile_overlayer_lowered;
	s7 =	simm.s32 $_tile_overlayer_lowered  }
0x9c: {  	s8 =	simm.s32 $0x1BFF;
	s21 =	sshll.u32 s7, $0x1;
	s5 =	sadd.s32 s5, s20  }
0x9d: {  	s22 =	simm.s32 $0x0;
	s6 =	sshll.u32 s6, $0x1;
	s7 =	sadd.s32 s21, s5  }
0x9e: {  	[timem:s22], [sflag:s8] =	dma.local [hbm:s7], s6  }
0x9f: {  	_ =	swait.ge [sflag:s8], s6  }
0xa0: {  	s6 =	ssub.s32 $0x0, s6;
	[sflag:s8] =	ssyncset.done $0x0  }
0xa1: {  	[sflag:s8] =	ssyncadd.s32 s6;
	_ =	sdelay $0x1  }
0xa2: {  	s23 =	simm.s32 $0x1B8B  }
0xa3: {  	_ =	swait.ge [sflag:s23], $0x1  }
0xa4: {  	[sflag:s23] =	ssyncset.done $0x0  }
0xa5: {  	[sflag:s23] =	ssyncadd.s32 $0xFFFFFFFF  }
0xa6: {  	s6 =	sld [smem:$0x0]  }
0xa7: {  	s7 =	sand.u32 $0xFFFFFFFE, s1  }
0xa8: {  	p0 =	sne.s32 s1, s7  }
0xa9: {  	s7 =	sshll.u32 @p0 s7, $0xE  }
0xaa: {  	s7 =	sadd.s32 @p0 $0x11B8D, s7;
	s8 =	sshll.u32 @p0 s6, $0x11  }
0xab: {  	s7 =	sor.u32 @p0 s8, s7  }
0xac: {  	[sflag:s7] =	ssyncadd.remote.s32 @p0 $0x1;
	_ =	sdelay $0x1  }
0xad: {  	s7 =	simm.s32 @p0 $0x1B8D  }
0xae: {  	_ =	swait.eq @p0 [sflag:s7], $0x1  }
0xaf: {  	[sflag:s7] =	ssyncadd.s32 @p0 $0xFFFFFFFF  }
0xb0: {  	s8 =	sshll.u32 @!p0 s1, $0xE  }
0xb1: {  	s8 =	sor.u32 @!p0 $0x4000, s8;
	s7 =	simm.s32 @!p0 $0x1B8D  }
0xb2: {  	s6 =	sshll.u32 @!p0 s6, $0x11;
	s8 =	sadd.s32 @!p0 $0x11B8D, s8;
	_ =	swait.eq @!p0 [sflag:s7], $0x1  }
0xb3: {  	s6 =	sor.u32 @!p0 s6, s8;
	[sflag:s7] =	ssyncadd.s32 @!p0 $0xFFFFFFFF  }
0xb4: {  	s25 =	simm.s32 $0x1B8E;
	s24 =	sld [smem:$0x3FFE];
	[sflag:s6] =	ssyncadd.remote.s32 @!p0 $0x1  }
0xb5: {  	s26 =	simm.s32 $execute0_lowered;
	[smem:$0x3FD2] =	sst s25  }
0xb6: {  	s7 =	sshll.u32 s26, $0x1;
	_ =	strace $0x80000049;
	[dreg:$0x1] =	wrdreg $0xFFFFFFFF  }
0xb7: {  	s28 =	simm.s32 $_size_execute0_lowered;
	s5 =	sadd.s32 s5, s7;
	[dreg:$0x0] =	wrdreg $0x0  }
0xb8: {  	s7 =	sshll.u32 s28, $0x1;
	[dreg:$0x2] =	wrdreg s5  }
0xb9: {  	[dreg:$0x3] =	wrdreg s7  }
0xba: {  	[dreg:$0x4] =	wrdreg $0xC0  }
0xbb: {  	_ =	task [dreg:s22], $0x5FFFF  }
0xbc: {  	[dreg:$0x1] =	wrdreg $0xFFFFFFFF  }
0xbd: {  	[dreg:$0x0] =	wrdreg $0x60  }
0xbe: {  	[dreg:$0x2] =	wrdreg s18  }
0xbf: {  	[dreg:$0x3] =	wrdreg s4  }
0xc0: {  	[dreg:$0x4] =	wrdreg s24  }
0xc1: {  	[dreg:$0x5] =	wrdreg $0xAA000  }
0xc2: {  	[dreg:$0x6] =	wrdreg $0x9  }
0xc3: {  	_ =	task.clear_ibuf [dreg:s22], $0x7FFFF;
	_ =	strace $0x90000049  }
0xc4: {  	s29 =	simm.s32 $0x9;
	_ =	strace $0x8000004B  }
0xc5: {  	_ =	swait.ge [sflag:s29], $0x1  }
0xc6: {  	[sflag:s29] =	ssyncadd.s32 $0xFFFFFFFF  }
0xc7: {  	_ =	strace $0x9000004B  }
0xc8: {  	_ =	sfence  }
0xc9: {  	s30 =	sld [smem:$0x0];
	_ =	sdelay $0x2  }
0xca: {  	s31 =	sshll.u32 s1, $0xD;
	s1 =	sshrl.u32 s1, $0x2  }
0xcb: {  	s4 =	sand.u32 $0x4000, s31;
	s1 =	sadd.s32 s1, s30  }
0xcc: {  	s0 =	sor.u32 s4, s0;
	s1 =	sshll.u32 s1, $0x11  }
0xcd: {  	s0 =	sor.u32 s1, s0  }
0xce: {  	s0 =	sadd.s32 $0x8F2B, s0  }
0xcf: {  	[sflag:s0] =	ssyncadd.remote.s32 $0x1  }
0xd0: {  	_ =	sfence.sel $0xFFFF  }
0xd1: {  	[dreg:$0x0] =	wrdreg $0xFFFFFFFF;
	(pc) =	sbr.abs _section_cstart, $3  }
0xd2: {  	[dreg:$0x1] =	wrdreg $0xFFFFFFFF  }
0xd3: {  	_ =	task.clear_ibuf [dreg:s22], $0x2FFFF;
	_ =	strace $0x9FFFFFFF  }
0xd4: {  	(tm) =	ssettm $0x7FFFFFFF  }
0xd5: {  	_ =	shalt  }
tec
execute0_lowered:
.L_overlay_start_1:
0x0: {  	(tag) =	ssettag $0x1  }
0x1: {  	s1 =	rddreg [dreg:$0x0]  }
0x2: {  	s6 =	rddreg [dreg:$0x1]  }
0x3: {  	s7 =	rddreg [dreg:$0x2]  }
0x4: {  	s2 =	rddreg [dreg:$0x3]  }
0x5: {  	s3 =	srdreg.scid;
	s0 =	rddreg [dreg:$0x4];
	s4 =	simm.s32 $0x0  }
0x6: {  	s13 =	simm.s32 $0x2800;
	s14 =	simm.s32 $0x2A00;
	s15 =	simm.s32 $0x2880  }
0x7: {  	s16 =	simm.s32 $0x6A00;
	s17 =	simm.s32 $0x1;
	s18 =	simm.s32 $0x2900  }
0x8: {  	s19 =	simm.s32 $0x2;
	s20 =	simm.s32 $0x2980;
	s8 =	sand.u32 $0x1, s3  }
0x9: {  	s21 =	simm.s32 $0x0;
	s3 =	stileid.u32;
	s9 =	smul.u32 $0x13C000, s8  }
0xa: {  	[smem:$0x7FF] =	sst s4;
	s5 =	sadd.s32 $0x1200, s7;
	s10 =	smul.u32 $0x13C00, s3  }
0xb: {  	_ =	strace $0x8000004A;
	s29 =	sshll.u32 s8, $0x4;
	s8 =	ssub.s32 $0x2, s8  }
0xc: {  	s11 =	smul.u32 $0x4F000, s3;
	s31 =	sshll.u32 s3, $0x6;
	s12 =	sshrl.u32 s8, $0x1  }
0xd: {  	s9 =	sadd.s32 s10, s9;
	s10 =	sor.u32 s3, s29;
	s8 =	ssub.s32 s8, s12  }
0xe: {  	s30 =	sshrl.u32 s11, $0x2;
	s12 =	simm.s32 $0x80;
	s9 =	sshrl.u32 s9, $0x3  }
0xf: {  	s10 =	smul.u32 $0x500, s10;
	s11 =	sadd.s32 s30, s2;
	s8 =	smax.u32 s8, $0x1  }
0x10: {  	s7 =	sadd.s32 s9, s7;
	s9 =	simm.s32 $0x3;
	s11 =	sshrl.u32 s11, $0x3  }
0x11: {  	s6 =	sadd.s32 s6, s10;
	s7 =	sadd.s32 $0x52A00, s7;
	s10 =	sor.u32 $0x1C03, s31  }
.LBB2_1:
0x12: {  	[tilespmem:s4], [sflag:$0x3] =	stream.linear.gather [hbm4b:s6+s4], $0x2800, $0x38;
	[tilespmem:$0x1E600] =	vst v63  }
0x13: {  	_ =	swait.ge [sflag:s9], $0x2800  }
0x14: {  	[sflag:s9] =	ssyncset.done $0x0  }
0x15: {  	[sflag:s9] =	ssyncadd.s32 $0xFFFFD800  }
0x16: {  	[spmem:s11], [sflag:s10] =	dma.local [hbm:s5], $0x2780  }
0x17: {  	_ =	swait.ge [sflag:s9], $0x2780  }
0x18: {  	[sflag:s9] =	ssyncset.done $0x0  }
0x19: {  	[sflag:s9] =	ssyncadd.s32 $0xFFFFD880  }
0x1a: {  	[bflag:$0x0] =	sbarrier.arrive $0xFFFF  }
0x1b: {  	v0 =	vld [tilespmem:$0x0];
	_ =	sdelay $0x1  }
0x1c: {  	v1 =	vld [tilespmem:$0x10];
	_ =	sdelay $0x1  }
0x1d: {  	v2 =	vld [tilespmem:$0x20]  }
0x1e: {  	v3 =	vshrl.u32 v0, $0xE  }
0x1f: {  	v0 =	vand.u32 $0x3FFF, v0;
	[tilespmem:$0x2800] =	vst v3;
	v3 =	vld [tilespmem:$0x30]  }
0x20: {  	[tilespmem:$0x2900] =	vst v0;
	v0 =	vshrl.u32 v1, $0xE  }
0x21: {  	[tilespmem:$0x2810] =	vst v0;
	v0 =	vand.u32 $0x3FFF, v1;
	v1 =	vld [tilespmem:$0x40]  }
0x22: {  	[tilespmem:$0x2910] =	vst v0;
	v0 =	vshrl.u32 v2, $0xE  }
0x23: {  	[tilespmem:$0x2820] =	vst v0;
	v0 =	vand.u32 $0x3FFF, v2;
	v2 =	vld [tilespmem:$0x50]  }
0x24: {  	[tilespmem:$0x2920] =	vst v0;
	v0 =	vshrl.u32 v3, $0xE  }
0x25: {  	[tilespmem:$0x2830] =	vst v0;
	v0 =	vand.u32 $0x3FFF, v3;
	v3 =	vld [tilespmem:$0x60]  }
0x26: {  	[tilespmem:$0x2930] =	vst v0;
	v0 =	vshrl.u32 v1, $0xE  }
0x27: {  	[tilespmem:$0x2840] =	vst v0;
	v0 =	vand.u32 $0x3FFF, v1;
	v1 =	vld [tilespmem:$0x70]  }
0x28: {  	[tilespmem:$0x2940] =	vst v0;
	v0 =	vshrl.u32 v2, $0xE  }
0x29: {  	[tilespmem:$0x2850] =	vst v0;
	v0 =	vand.u32 $0x3FFF, v2  }
0x2a: {  	[tilespmem:$0x2950] =	vst v0;
	v0 =	vshrl.u32 v3, $0xE  }
0x2b: {  	[tilespmem:$0x2860] =	vst v0;
	v0 =	vand.u32 $0x3FFF, v3  }
0x2c: {  	[tilespmem:$0x2960] =	vst v0;
	v0 =	vshrl.u32 v1, $0xE  }
0x2d: {  	[tilespmem:$0x2870] =	vst v0;
	v0 =	vand.u32 $0x3FFF, v1  }
0x2e: {  	s22 =	simm.s32 $0x0;
	[tilespmem:$0x2970] =	vst v0  }
0x2f: {  	[tilespmem:s14], [sflag:$0x1] =	stream.indirect.gather [hbm4b:s1+s12], $0x80, s13, s12, $0xb8;
	[tilespmem:$0x1E600] =	vst v63  }
0x30: {  	v0 =	vld [tilespmem:s22+$0x80];
	_ =	sdelay $0x4  }
0x31: {  	v1 =	vshrl.u32 v0, $0xE  }
0x32: {  	v0 =	vand.u32 $0x3FFF, v0;
	[tilespmem:$0x2880] =	vst v1  }
0x33: {  	[tilespmem:$0x2980] =	vst v0  }
0x34: {  	v0 =	vld [tilespmem:s22+$0x90];
	_ =	sdelay $0x4  }
0x35: {  	v1 =	vshrl.u32 v0, $0xE  }
0x36: {  	v0 =	vand.u32 $0x3FFF, v0;
	[tilespmem:$0x2890] =	vst v1  }
0x37: {  	[tilespmem:$0x2990] =	vst v0  }
0x38: {  	v0 =	vld [tilespmem:s22+$0xA0];
	_ =	sdelay $0x4  }
0x39: {  	v1 =	vshrl.u32 v0, $0xE  }
0x3a: {  	v0 =	vand.u32 $0x3FFF, v0;
	[tilespmem:$0x28A0] =	vst v1  }
0x3b: {  	[tilespmem:$0x29A0] =	vst v0  }
0x3c: {  	v0 =	vld [tilespmem:s22+$0xB0];
	_ =	sdelay $0x4  }
0x3d: {  	v1 =	vshrl.u32 v0, $0xE  }
0x3e: {  	v0 =	vand.u32 $0x3FFF, v0;
	[tilespmem:$0x28B0] =	vst v1  }
0x3f: {  	[tilespmem:$0x29B0] =	vst v0  }
0x40: {  	v0 =	vld [tilespmem:s22+$0xC0];
	_ =	sdelay $0x4  }
0x41: {  	v1 =	vshrl.u32 v0, $0xE  }
0x42: {  	v0 =	vand.u32 $0x3FFF, v0;
	[tilespmem:$0x28C0] =	vst v1  }
0x43: {  	[tilespmem:$0x29C0] =	vst v0  }
0x44: {  	v0 =	vld [tilespmem:s22+$0xD0];
	_ =	sdelay $0x4  }
0x45: {  	v1 =	vshrl.u32 v0, $0xE  }
0x46: {  	v0 =	vand.u32 $0x3FFF, v0;
	[tilespmem:$0x28D0] =	vst v1  }
0x47: {  	[tilespmem:$0x29D0] =	vst v0  }
0x48: {  	v0 =	vld [tilespmem:s22+$0xE0];
	_ =	sdelay $0x4  }
0x49: {  	v1 =	vshrl.u32 v0, $0xE  }
0x4a: {  	v0 =	vand.u32 $0x3FFF, v0;
	[tilespmem:$0x28E0] =	vst v1  }
0x4b: {  	[tilespmem:$0x29E0] =	vst v0  }
0x4c: {  	v0 =	vld [tilespmem:s22+$0xF0];
	_ =	sdelay $0x4  }
0x4d: {  	v1 =	vshrl.u32 v0, $0xE  }
0x4e: {  	v0 =	vand.u32 $0x3FFF, v0;
	[tilespmem:$0x28F0] =	vst v1  }
0x4f: {  	[tilespmem:$0x29F0] =	vst v0  }
0x50: {  	[tilespmem:s16], [sflag:$0x2] =	stream.indirect.gather [hbm4b:s1+s12], $0x80, s15, s12, $0xb8;
	[tilespmem:$0x1E600] =	vst v63  }
0x51: {  	_ =	swait.ge [sflag:s17], $0x4000  }
0x52: {  	[sflag:s17] =	ssyncset.done $0x0  }
0x53: {  	[sflag:s17] =	ssyncadd.s32 $0xFFFFC000  }
0x54: {  	[spmem:s2] =	stream.indirect.scatter.add.f32 [tilespmem:s14], [sflag:$0x3], $0x80, s18, s12, $0xb8;
	[tilespmem:$0x1E600] =	vst v63  }
0x55: {  	_ =	swait.ge [sflag:s9], $0x4000  }
0x56: {  	p1 =	por $0x0, $0x0;
	[sflag:s9] =	ssyncset.done $0x0  }
0x57: {  	s23 =	simm.s32 @!p1 $0x0;
	[sflag:s9] =	ssyncadd.s32 $0xFFFFC000  }
0x58: {  	v0 =	vld @!p1 [tilespmem:s23+$0x100];
	_ =	sdelay $0x4  }
0x59: {  	v1 =	vshrl.u32 @!p1 v0, $0xE  }
0x5a: {  	v0 =	vand.u32 @!p1 $0x3FFF, v0;
	[tilespmem:$0x2800] =	vst @!p1 v1  }
0x5b: {  	[tilespmem:$0x2900] =	vst @!p1 v0  }
0x5c: {  	v0 =	vld @!p1 [tilespmem:s23+$0x110];
	_ =	sdelay $0x4  }
0x5d: {  	v1 =	vshrl.u32 @!p1 v0, $0xE  }
0x5e: {  	v0 =	vand.u32 @!p1 $0x3FFF, v0;
	[tilespmem:$0x2810] =	vst @!p1 v1  }
0x5f: {  	[tilespmem:$0x2910] =	vst @!p1 v0  }
0x60: {  	v0 =	vld @!p1 [tilespmem:s23+$0x120];
	_ =	sdelay $0x4  }
0x61: {  	v1 =	vshrl.u32 @!p1 v0, $0xE  }
0x62: {  	v0 =	vand.u32 @!p1 $0x3FFF, v0;
	[tilespmem:$0x2820] =	vst @!p1 v1  }
0x63: {  	[tilespmem:$0x2920] =	vst @!p1 v0  }
0x64: {  	v0 =	vld @!p1 [tilespmem:s23+$0x130];
	_ =	sdelay $0x4  }
0x65: {  	v1 =	vshrl.u32 @!p1 v0, $0xE  }
0x66: {  	v0 =	vand.u32 @!p1 $0x3FFF, v0;
	[tilespmem:$0x2830] =	vst @!p1 v1  }
0x67: {  	[tilespmem:$0x2930] =	vst @!p1 v0  }
0x68: {  	v0 =	vld @!p1 [tilespmem:s23+$0x140];
	_ =	sdelay $0x4  }
0x69: {  	v1 =	vshrl.u32 @!p1 v0, $0xE  }
0x6a: {  	v0 =	vand.u32 @!p1 $0x3FFF, v0;
	[tilespmem:$0x2840] =	vst @!p1 v1  }
0x6b: {  	[tilespmem:$0x2940] =	vst @!p1 v0  }
0x6c: {  	v0 =	vld @!p1 [tilespmem:s23+$0x150];
	_ =	sdelay $0x4  }
0x6d: {  	v1 =	vshrl.u32 @!p1 v0, $0xE  }
0x6e: {  	v0 =	vand.u32 @!p1 $0x3FFF, v0;
	[tilespmem:$0x2850] =	vst @!p1 v1  }
0x6f: {  	[tilespmem:$0x2950] =	vst @!p1 v0  }
0x70: {  	v0 =	vld @!p1 [tilespmem:s23+$0x160];
	_ =	sdelay $0x4  }
0x71: {  	s25 =	simm.s32 @!p1 $0x80;
	v1 =	vshrl.u32 @!p1 v0, $0xE  }
0x72: {  	s26 =	simm.s32 @!p1 $0x2800;
	s28 =	simm.s32 @!p1 $0x2A00;
	s22 =	simm.s32 $0x400;
	v0 =	vand.u32 @!p1 $0x3FFF, v0;
	[tilespmem:$0x2860] =	vst @!p1 v1  }
.LBB2_2:
0x73: {  	[tilespmem:$0x2960] =	vst @!p1 v0;
	s24 =	smov.u32 s22;
	s22 =	sadd.s32 $0x400, s22  }
0x74: {  	p0 =	sne.s32 s22, $0xA000;
	v0 =	vld @!p1 [tilespmem:s23+$0x170];
	_ =	sdelay $0x4  }
0x75: {  	v1 =	vshrl.u32 @!p1 v0, $0xE;
	v0 =	vand.u32 @!p1 $0x3FFF, v0  }
0x76: {  	[tilespmem:$0x2870] =	vst @!p1 v1  }
0x77: {  	[tilespmem:$0x2970] =	vst @!p1 v0  }
0x78: {  	[tilespmem:s28], [sflag:$0x1] =	stream.indirect.gather @!p1 [hbm4b:s1+s25], $0x80, s26, s25, $0xb8;
	[tilespmem:$0x1E600] =	vst v63  }
0x79: {  	_ =	swait.ge [sflag:s19], $0x4000  }
0x7a: {  	[sflag:s19] =	ssyncset.done $0x0  }
0x7b: {  	[sflag:s19] =	ssyncadd.s32 $0xFFFFC000  }
0x7c: {  	[spmem:s2] =	stream.indirect.scatter.add.f32 [tilespmem:s16], [sflag:$0x3], $0x80, s20, s12, $0xb8;
	[tilespmem:$0x1E600] =	vst v63  }
0x7d: {  	_ =	swait.ge [sflag:s9], $0x4000  }
0x7e: {  	[sflag:s9] =	ssyncset.done $0x0  }
0x7f: {  	s23 =	sshra.s32 s24, $0x2;
	[sflag:s9] =	ssyncadd.s32 $0xFFFFC000  }
0x80: {  	v0 =	vld [tilespmem:s23+$0x80];
	_ =	sdelay $0x4  }
0x81: {  	v1 =	vshrl.u32 v0, $0xE;
	v0 =	vand.u32 $0x3FFF, v0  }
0x82: {  	[tilespmem:$0x2880] =	vst v1  }
0x83: {  	[tilespmem:$0x2980] =	vst v0  }
0x84: {  	v0 =	vld [tilespmem:s23+$0x90];
	_ =	sdelay $0x4  }
0x85: {  	v1 =	vshrl.u32 v0, $0xE;
	v0 =	vand.u32 $0x3FFF, v0  }
0x86: {  	[tilespmem:$0x2890] =	vst v1  }
0x87: {  	[tilespmem:$0x2990] =	vst v0  }
0x88: {  	v0 =	vld [tilespmem:s23+$0xA0];
	_ =	sdelay $0x4  }
0x89: {  	v1 =	vshrl.u32 v0, $0xE;
	v0 =	vand.u32 $0x3FFF, v0  }
0x8a: {  	[tilespmem:$0x28A0] =	vst v1  }
0x8b: {  	[tilespmem:$0x29A0] =	vst v0  }
0x8c: {  	v0 =	vld [tilespmem:s23+$0xB0];
	_ =	sdelay $0x4  }
0x8d: {  	v1 =	vshrl.u32 v0, $0xE;
	v0 =	vand.u32 $0x3FFF, v0  }
0x8e: {  	[tilespmem:$0x28B0] =	vst v1  }
0x8f: {  	[tilespmem:$0x29B0] =	vst v0  }
0x90: {  	v0 =	vld [tilespmem:s23+$0xC0];
	_ =	sdelay $0x4  }
0x91: {  	v1 =	vshrl.u32 v0, $0xE;
	v0 =	vand.u32 $0x3FFF, v0  }
0x92: {  	[tilespmem:$0x28C0] =	vst v1  }
0x93: {  	[tilespmem:$0x29C0] =	vst v0  }
0x94: {  	v0 =	vld [tilespmem:s23+$0xD0];
	_ =	sdelay $0x4  }
0x95: {  	v1 =	vshrl.u32 v0, $0xE;
	v0 =	vand.u32 $0x3FFF, v0  }
0x96: {  	[tilespmem:$0x28D0] =	vst v1  }
0x97: {  	[tilespmem:$0x29D0] =	vst v0  }
0x98: {  	v0 =	vld [tilespmem:s23+$0xE0];
	_ =	sdelay $0x4  }
0x99: {  	v1 =	vshrl.u32 v0, $0xE;
	v0 =	vand.u32 $0x3FFF, v0  }
0x9a: {  	[tilespmem:$0x28E0] =	vst v1  }
0x9b: {  	[tilespmem:$0x29E0] =	vst v0  }
0x9c: {  	v0 =	vld [tilespmem:s23+$0xF0];
	_ =	sdelay $0x4  }
0x9d: {  	v1 =	vshrl.u32 v0, $0xE;
	v0 =	vand.u32 $0x3FFF, v0  }
0x9e: {  	p1 =	seq.s32 s24, $0x9C00;
	[tilespmem:$0x28F0] =	vst v1  }
0x9f: {  	s23 =	sshra.s32 @!p1 s24, $0x2;
	[tilespmem:$0x29F0] =	vst v0  }
0xa0: {  	[tilespmem:s16], [sflag:$0x2] =	stream.indirect.gather [hbm4b:s1+s12], $0x80, s15, s12, $0xb8;
	[tilespmem:$0x1E600] =	vst v63  }
0xa1: {  	_ =	swait.ge [sflag:s17], $0x4000  }
0xa2: {  	[sflag:s17] =	ssyncset.done $0x0  }
0xa3: {  	[sflag:s17] =	ssyncadd.s32 $0xFFFFC000  }
0xa4: {  	[spmem:s2] =	stream.indirect.scatter.add.f32 [tilespmem:s14], [sflag:$0x3], $0x80, s18, s12, $0xb8;
	[tilespmem:$0x1E600] =	vst v63  }
0xa5: {  	_ =	swait.ge [sflag:s9], $0x4000  }
0xa6: {  	[sflag:s9] =	ssyncset.done $0x0  }
0xa7: {  	[sflag:s9] =	ssyncadd.s32 $0xFFFFC000  }
0xa8: {  	v0 =	vld @!p1 [tilespmem:s23+$0x100];
	_ =	sdelay $0x4  }
0xa9: {  	v1 =	vshrl.u32 @!p1 v0, $0xE;
	v0 =	vand.u32 @!p1 $0x3FFF, v0  }
0xaa: {  	[tilespmem:$0x2800] =	vst @!p1 v1  }
0xab: {  	[tilespmem:$0x2900] =	vst @!p1 v0  }
0xac: {  	v0 =	vld @!p1 [tilespmem:s23+$0x110];
	_ =	sdelay $0x4  }
0xad: {  	v1 =	vshrl.u32 @!p1 v0, $0xE;
	v0 =	vand.u32 @!p1 $0x3FFF, v0  }
0xae: {  	[tilespmem:$0x2810] =	vst @!p1 v1  }
0xaf: {  	[tilespmem:$0x2910] =	vst @!p1 v0  }
0xb0: {  	v0 =	vld @!p1 [tilespmem:s23+$0x120];
	_ =	sdelay $0x4  }
0xb1: {  	v1 =	vshrl.u32 @!p1 v0, $0xE;
	v0 =	vand.u32 @!p1 $0x3FFF, v0  }
0xb2: {  	[tilespmem:$0x2820] =	vst @!p1 v1  }
0xb3: {  	[tilespmem:$0x2920] =	vst @!p1 v0  }
0xb4: {  	v0 =	vld @!p1 [tilespmem:s23+$0x130];
	_ =	sdelay $0x4  }
0xb5: {  	v1 =	vshrl.u32 @!p1 v0, $0xE;
	v0 =	vand.u32 @!p1 $0x3FFF, v0  }
0xb6: {  	[tilespmem:$0x2830] =	vst @!p1 v1  }
0xb7: {  	[tilespmem:$0x2930] =	vst @!p1 v0  }
0xb8: {  	v0 =	vld @!p1 [tilespmem:s23+$0x140];
	_ =	sdelay $0x4  }
0xb9: {  	v1 =	vshrl.u32 @!p1 v0, $0xE;
	v0 =	vand.u32 @!p1 $0x3FFF, v0  }
0xba: {  	[tilespmem:$0x2840] =	vst @!p1 v1  }
0xbb: {  	[tilespmem:$0x2940] =	vst @!p1 v0  }
0xbc: {  	v0 =	vld @!p1 [tilespmem:s23+$0x150];
	_ =	sdelay $0x4  }
0xbd: {  	v1 =	vshrl.u32 @!p1 v0, $0xE;
	v0 =	vand.u32 @!p1 $0x3FFF, v0  }
0xbe: {  	[tilespmem:$0x2850] =	vst @!p1 v1  }
0xbf: {  	s25 =	simm.s32 @!p1 $0x80;
	s26 =	simm.s32 @!p1 $0x2800;
	s28 =	simm.s32 @!p1 $0x2A00;
	[tilespmem:$0x2950] =	vst @!p1 v0  }
0xc0: {  	v0 =	vld @!p1 [tilespmem:s23+$0x160];
	_ =	sdelay $0x1  }
.Ltmp0:
0xc1: {  	(pc) =	sbr.rel @p0 .LBB2_2-.Ltmp0, $3  }
0xc2: {  	_ =	sdelay $0x1  }
0xc3: {  	v1 =	vshrl.u32 @!p1 v0, $0xE;
	v0 =	vand.u32 @!p1 $0x3FFF, v0  }
0xc4: {  	[tilespmem:$0x2860] =	vst @!p1 v1  }
0xc5: {  	[tilespmem:$0x2960] =	vst @!p1 v0  }
0xc6: {  	v0 =	vld @!p1 [tilespmem:s23+$0x170];
	_ =	sdelay $0x4  }
0xc7: {  	v1 =	vshrl.u32 @!p1 v0, $0xE  }
0xc8: {  	v0 =	vand.u32 @!p1 $0x3FFF, v0;
	[tilespmem:$0x2870] =	vst @!p1 v1  }
0xc9: {  	[tilespmem:$0x2970] =	vst @!p1 v0  }
0xca: {  	[tilespmem:s28], [sflag:$0x1] =	stream.indirect.gather @!p1 [hbm4b:s1+s25], $0x80, s26, s25, $0xb8;
	[tilespmem:$0x1E600] =	vst v63  }
0xcb: {  	_ =	swait.ge [sflag:s19], $0x4000  }
0xcc: {  	[sflag:s19] =	ssyncset.done $0x0  }
0xcd: {  	[sflag:s19] =	ssyncadd.s32 $0xFFFFC000  }
0xce: {  	[spmem:s2] =	stream.indirect.scatter.add.f32 [tilespmem:s16], [sflag:$0x3], $0x80, s20, s12, $0xb8;
	[tilespmem:$0x1E600] =	vst v63  }
0xcf: {  	_ =	swait.ge [sflag:s9], $0x4000  }
0xd0: {  	s21 =	sadd.s32 $0x1, s21;
	[sflag:s9] =	ssyncset.done $0x0  }
0xd1: {  	p0 =	sne.s32 s21, s8;
	[sflag:s9] =	ssyncadd.s32 $0xFFFFC000  }
.Ltmp1:
0xd2: {  	[bflag:$0x0] =	sbarrier.arrive $0xFFFF;
	(pc) =	sbr.rel @p0 .LBB2_1-.Ltmp1, $4  }
0xd3: {  	[hbm:s7], [sflag:s10] =	dma.local [spmem:s11], $0x2780  }
0xd4: {  	_ =	swait.ge [sflag:s9], $0x2780  }
0xd5: {  	[sflag:s9] =	ssyncset.done $0x0  }
0xd6: {  	[sflag:s9] =	ssyncadd.s32 $0xFFFFD880  }
0xd7: {  	_ =	sfence.sel $0x180000  }
0xd8: {  	[bflag:$0x0] =	sbarrier.arrive $0xFFFF  }
0xd9: {  	p0 =	sne.s32 s3, $0x0;
	_ =	strace $0x9000004A  }
0xda: {  	s0 =	sadd.s32 @!p0 $0x100000, s0;
	[bflag:$0x2] =	sbarrier.arrive $0xFFFF  }
0xdb: {  	[sflag:s0] =	ssyncadd.tile.s32 @!p0 $0x1;
	_ =	shalt  }
.Lfunc_end2:
_tile_overlayer_lowered:
.L_overlay_start_2:
0xdc: {  	(tag) =	ssettag $0x2  }
0xdd: {  	s0 =	rddreg [dreg:$0x0];
	s2 =	stileid.u32  }
0xde: {  	s1 =	rddreg [dreg:$0x1];
	p0 =	sne.s32 s2, $0x0  }
0xdf: {  	s3 =	rddreg [dreg:$0x2];
	[bflag:$0x3] =	sbarrier.arrive $0xFFFF;
	s2 =	simm.s32 @!p0 $0x1C03  }
0xe0: {  	[timem:s3], [sflag:s2] =	dma.local @!p0 [hbm:s0], s1  }
0xe1: {  	s0 =	simm.s32 @!p0 $0x3  }
0xe2: {  	_ =	swait.ge @!p0 [sflag:s0], s1  }
0xe3: {  	s1 =	ssub.s32 @!p0 $0x0, s1;
	[sflag:s0] =	ssyncset.done @!p0 $0x0  }
0xe4: {  	[sflag:s0] =	ssyncadd.s32 @!p0 s1  }
0xe5: {  	[bflag:$0x3] =	sbarrier.arrive $0xFFFF  }
0xe6: {  	_ =	shalt  }

// kernel: kernel.8.cloned.1.call-start
scs
__scs_entry_jumppad:
0x0: {  	(pc) =	sbr.rel $0x88, $3  }
0x1: {  	(tag) =	ssettag $0x0;
	lr =	simm.s32 $0x1  }
0x2: {  	[smem:$0x3F9D] =	sst lr;
	_ =	strace $0xD0000000  }
0x3: {  	_ = 	snop  }
0x4: {  	_ = 	snop  }
0x5: {  	_ = 	snop  }
0x6: {  	_ = 	snop  }
0x7: {  	_ = 	snop  }
__scs_overlays_trampoline_lowered:
0x8: {  	[smem:$0x3FAC] =	sst s0  }
0x9: {  	[smem:$0x3FAD] =	sst s1  }
0xa: {  	[smem:$0x3FAE] =	sst s2  }
0xb: {  	[smem:$0x3FAF] =	sst s3  }
0xc: {  	[smem:$0x3FB0] =	sst s4  }
0xd: {  	[smem:$0x3FB1] =	sst s5  }
0xe: {  	[smem:$0x3FB2] =	sst s6  }
0xf: {  	[smem:$0x3FB3] =	sst s7  }
0x10: {  	[smem:$0x3FB4] =	sst s8  }
0x11: {  	[smem:$0x3FB5] =	sst s9;
	s0 =	simm.s32 @!p0 $0x0  }
0x12: {  	s1 =	sld [smem:$0x3F9B];
	s0 =	simm.s32 @p0 $0x1  }
0x13: {  	[smem:$0x3FB6] =	sst s0;
	s0 =	simm.s32 @!p1 $0x0  }
0x14: {  	s2 =	sld [smem:$0x3F9A];
	s0 =	simm.s32 @p1 $0x1  }
0x15: {  	[smem:$0x3FB7] =	sst s0;
	s0 =	simm.s32 @!p2 $0x0  }
0x16: {  	s3 =	sld [smem:$0x3FDB];
	s0 =	simm.s32 @p2 $0x1  }
0x17: {  	s4 =	simm.s32 $0x1BF5;
	[smem:$0x3FB9] =	sst s0  }
0x18: {  	s0 =	sld [smem:$0x3F9C];
	_ =	swait.ge [sflag:s4], $0x0  }
0x19: {  	s7 =	sld [smem:$0x3F9D]  }
0x1a: {  	s8 =	sadd.s32 $0xFFFFE003, lr  }
0x1b: {  	s9 =	sadd.s32 $0xFFFFFEF7, lr;
	s5 =	simm.s32 $0xFFFFFFFF;
	p2 =	slt.u32 s8, $0xFFFFF086  }
0x1c: {  	p1 =	slt.u32 s9, $0xF7A;
	s5 =	simm.s32 @!p2 $0x0  }
0x1d: {  	s5 =	simm.s32 @p1 $0x1;
	p0 =	seq.s32 s7, s2  }
0x1e: {  	s7 =	smul.u32 @!p0 $0xF7A, s2;
	p2 =	seq.s32 @!p0 s5, $0x0  }
0x1f: {  	s9 =	smul.u32 $0xF7A, s1;
	s8 =	simm.s32 @!p0 $0x1BF5;
	p2 =	por !p2, p0  }
0x20: {  	[sflag:s8] =	ssyncset.s32 @!p0 $0xFFFFF086;
	s6 =	sadd.s32 @!p0 s3, s7;
	s7 =	simm.s32 @!p0 $0x108  }
0x21: {  	s3 =	sadd.s32 s3, s9;
	s6 =	sadd.s32 @!p0 $0x88, s6;
	s7 =	simm.s32 @p2 $0x1082  }
0x22: {  	[simem:s7], [sflag:s8] =	dma.local @!p0 [hbm:s6], $0xF7A  }
0x23: {  	s9 =	sor.u32 $0xD0000000, s2;
	s6 =	simm.s32 $0x108;
	_ =	swait.ge @!p0 [sflag:s8], $0x0  }
0x24: {  	s3 =	sadd.s32 $0x88, s3;
	s6 =	simm.s32 @!p1 $0x1082;
	[sflag:s4] =	ssyncset.s32 $0xFFFFF086  }
0x25: {  	[simem:s6], [sflag:s4] =	dma.local [hbm:s3], $0xF7A  }
0x26: {  	[smem:$0x3F9D] =	sst s1;
	(tag) =	ssettag s2;
	_ =	strace s9  }
0x27: {  	s1 =	sld [smem:$0x3FAD]  }
0x28: {  	s2 =	sld [smem:$0x3FAE]  }
0x29: {  	s4 =	sld [smem:$0x3FB0]  }
0x2a: {  	p0 =	seq.s32 s5, $0x0;
	s5 =	sld [smem:$0x3FB1]  }
0x2b: {  	s6 =	sld [smem:$0x3FB2]  }
0x2c: {  	s7 =	sld [smem:$0x3FB3]  }
0x2d: {  	s3 =	simm.s32 $0x108;
	s8 =	sld [smem:$0x3FB4]  }
0x2e: {  	s3 =	simm.s32 @!p0 $0x1082;
	s9 =	sld [smem:$0x3FB5]  }
0x2f: {  	lr =	sadd.s32 s0, s3;
	s0 =	sld [smem:$0x3FAC]  }
0x30: {  	s3 =	sld [smem:$0x3FAF]  }
0x31: {  	[smem:$0x3FB8] =	sst s10  }
0x32: {  	s10 =	sld [smem:$0x3FB6];
	_ =	sdelay $0x3  }
0x33: {  	p0 =	seq.s32 s10, $0x1;
	s10 =	sld [smem:$0x3FB8];
	_ =	sdelay $0x3  }
0x34: {  	[smem:$0x3FB8] =	sst s10  }
0x35: {  	s10 =	sld [smem:$0x3FB7];
	_ =	sdelay $0x3  }
0x36: {  	p1 =	seq.s32 s10, $0x1;
	s10 =	sld [smem:$0x3FB8];
	_ =	sdelay $0x3  }
0x37: {  	[smem:$0x3FB8] =	sst s10  }
0x38: {  	s10 =	sld [smem:$0x3FB9]  }
0x39: {  	_ = 	snop;
	(pc) =	sbr.ind lr, $3  }
0x3a: {  	_ = 	snop  }
0x3b: {  	_ = 	snop  }
0x3c: {  	p2 =	seq.s32 s10, $0x1;
	s10 =	sld [smem:$0x3FB8]  }
0x3d: {  	_ =	shalt  }
0x3e: {  	_ =	shalt  }
0x3f: {  	_ =	shalt  }
0x40: {  	_ =	shalt  }
0x41: {  	_ =	shalt  }
0x42: {  	_ =	shalt  }
0x43: {  	_ =	shalt  }
0x44: {  	_ =	shalt  }
0x45: {  	_ =	shalt  }
0x46: {  	_ =	shalt  }
0x47: {  	_ =	shalt  }
0x48: {  	_ =	shalt  }
0x49: {  	_ =	shalt  }
0x4a: {  	_ =	shalt  }
0x4b: {  	_ =	shalt  }
0x4c: {  	_ =	shalt  }
0x4d: {  	_ =	shalt  }
0x4e: {  	_ =	shalt  }
0x4f: {  	_ =	shalt  }
0x50: {  	_ =	shalt  }
0x51: {  	_ =	shalt  }
0x52: {  	_ =	shalt  }
0x53: {  	_ =	shalt  }
0x54: {  	_ =	shalt  }
0x55: {  	_ =	shalt  }
0x56: {  	_ =	shalt  }
0x57: {  	_ =	shalt  }
0x58: {  	_ =	shalt  }
0x59: {  	_ =	shalt  }
0x5a: {  	_ =	shalt  }
0x5b: {  	_ =	shalt  }
0x5c: {  	_ =	shalt  }
0x5d: {  	_ =	shalt  }
0x5e: {  	_ =	shalt  }
0x5f: {  	_ =	shalt  }
0x60: {  	_ =	shalt  }
0x61: {  	_ =	shalt  }
0x62: {  	_ =	shalt  }
0x63: {  	_ =	shalt  }
0x64: {  	_ =	shalt  }
0x65: {  	_ =	shalt  }
0x66: {  	_ =	shalt  }
0x67: {  	_ =	shalt  }
0x68: {  	_ =	shalt  }
0x69: {  	_ =	shalt  }
0x6a: {  	_ =	shalt  }
0x6b: {  	_ =	shalt  }
0x6c: {  	_ =	shalt  }
0x6d: {  	_ =	shalt  }
0x6e: {  	_ =	shalt  }
0x6f: {  	_ =	shalt  }
0x70: {  	_ =	shalt  }
0x71: {  	_ =	shalt  }
0x72: {  	_ =	shalt  }
0x73: {  	_ =	shalt  }
0x74: {  	_ =	shalt  }
0x75: {  	_ =	shalt  }
0x76: {  	_ =	shalt  }
0x77: {  	_ =	shalt  }
0x78: {  	_ =	shalt  }
0x79: {  	_ =	shalt  }
0x7a: {  	_ =	shalt  }
0x7b: {  	_ =	shalt  }
0x7c: {  	_ =	shalt  }
0x7d: {  	_ =	shalt  }
0x7e: {  	_ =	shalt  }
0x7f: {  	_ =	shalt  }
0x80: {  	_ =	shalt  }
0x81: {  	_ =	shalt  }
0x82: {  	_ =	shalt  }
0x83: {  	_ =	shalt  }
0x84: {  	_ =	shalt  }
0x85: {  	_ =	shalt  }
0x86: {  	_ =	shalt  }
0x87: {  	_ =	shalt  }
.Lfunc_end0:
.L_simem_size_0:
called_computation.1_lowered:
.L_overlay_start_0:
0x88: {  	s2 =	sld [smem:$0x3FD9]  }
0x89: {  	s3 =	sld [smem:$0x3FFE];
	_ =	sdelay $0x1  }
0x8a: {  	s1 =	srdreg.scid  }
0x8b: {  	s0 =	sand.u32 $0x1, s1  }
0x8c: {  	s17 =	sshll.u32 s0, $0xA;
	s2 =	sadd.s32 s3, s2  }
0x8d: {  	s2 =	sadd.s32 s2, s17  }
0x8e: {  	[smem:$0x3FC4] =	sst s2  }
0x8f: {  	_ = 	snop  }
0x90: {  	s2 =	sld [smem:$0x3FD0];
	(tm) =	ssettm $0x1  }
0x91: {  	s18 =	sld [smem:$0x3FFB];
	_ =	sdelay $0x3  }
0x92: {  	_ =	strace s18  }
0x93: {  	s3 =	sld [smem:$0x3FFC];
	_ =	sdelay $0x3  }
0x94: {  	_ =	strace s3  }
0x95: {  	s3 =	sld [smem:$0x3FFD];
	_ =	sdelay $0x3  }
0x96: {  	_ =	strace s3  }
0x97: {  	_ =	strace $0x8FFFFFFF  }
0x98: {  	s19 =	sld [smem:$0x3FDB];
	_ =	sdelay $0x1  }
0x99: {  	s4 =	simm.s32 $_scs_section_size  }
0x9a: {  	s5 =	simm.s32 $_size__tile_overlayer_lowered;
	s6 =	simm.s32 $_tile_overlayer_lowered  }
0x9b: {  	s22 =	simm.s32 $0x1BFF;
	s21 =	sshll.u32 s6, $0x1;
	s3 =	sadd.s32 s4, s19  }
0x9c: {  	s7 =	simm.s32 $0x0;
	s20 =	sshll.u32 s5, $0x1;
	s5 =	sadd.s32 s21, s3  }
0x9d: {  	[timem:s7], [sflag:s22] =	dma.local [hbm:s5], s20  }
0x9e: {  	_ =	swait.ge [sflag:s22], s20  }
0x9f: {  	s4 =	ssub.s32 $0x0, s20;
	[sflag:s22] =	ssyncset.done $0x0  }
0xa0: {  	[sflag:s22] =	ssyncadd.s32 s4;
	_ =	sdelay $0x1  }
0xa1: {  	s23 =	simm.s32 $0x1B8B  }
0xa2: {  	_ =	swait.ge [sflag:s23], $0x1  }
0xa3: {  	[sflag:s23] =	ssyncset.done $0x0  }
0xa4: {  	s25 =	simm.s32 $0x1B8E;
	s24 =	sld [smem:$0x3FFE];
	[sflag:s23] =	ssyncadd.s32 $0xFFFFFFFF  }
0xa5: {  	s26 =	simm.s32 $execute0_lowered;
	[smem:$0x3FD2] =	sst s25  }
0xa6: {  	s5 =	sshll.u32 s26, $0x1;
	_ =	strace $0x80000046;
	[dreg:$0x1] =	wrdreg $0xFFFFFFFF  }
0xa7: {  	s28 =	simm.s32 $_size_execute0_lowered;
	s3 =	sadd.s32 s3, s5;
	[dreg:$0x0] =	wrdreg $0x0  }
0xa8: {  	s5 =	sshll.u32 s28, $0x1;
	[dreg:$0x2] =	wrdreg s3  }
0xa9: {  	[dreg:$0x3] =	wrdreg s5  }
0xaa: {  	[dreg:$0x4] =	wrdreg $0xC0  }
0xab: {  	_ =	task [dreg:s7], $0x5FFFF  }
0xac: {  	[dreg:$0x1] =	wrdreg $0xFFFFFFFF  }
0xad: {  	[dreg:$0x0] =	wrdreg $0x60  }
0xae: {  	[dreg:$0x2] =	wrdreg s2  }
0xaf: {  	[dreg:$0x3] =	wrdreg s24  }
0xb0: {  	[dreg:$0x4] =	wrdreg $0x68800  }
0xb1: {  	[dreg:$0x5] =	wrdreg $0xA  }
0xb2: {  	_ =	task.clear_ibuf [dreg:s7], $0x6FFFF;
	_ =	strace $0x90000046  }
0xb3: {  	s29 =	simm.s32 $0xA;
	_ =	strace $0x80000048  }
0xb4: {  	_ =	swait.ge [sflag:s29], $0x1  }
0xb5: {  	[sflag:s29] =	ssyncadd.s32 $0xFFFFFFFF  }
0xb6: {  	_ =	strace $0x90000048  }
0xb7: {  	_ =	sfence  }
0xb8: {  	s30 =	sld [smem:$0x0];
	_ =	sdelay $0x2  }
0xb9: {  	s31 =	sshll.u32 s1, $0xD;
	s1 =	sshrl.u32 s1, $0x2  }
0xba: {  	s3 =	sand.u32 $0x4000, s31;
	s1 =	sadd.s32 s1, s30  }
0xbb: {  	s0 =	sor.u32 s3, s0;
	s1 =	sshll.u32 s1, $0x11  }
0xbc: {  	s0 =	sor.u32 s1, s0  }
0xbd: {  	s0 =	sadd.s32 $0x8F2B, s0  }
0xbe: {  	[sflag:s0] =	ssyncadd.remote.s32 $0x1  }
0xbf: {  	_ =	sfence.sel $0xFFFF  }
0xc0: {  	[dreg:$0x0] =	wrdreg $0xFFFFFFFF;
	(pc) =	sbr.abs _section_cstart, $3  }
0xc1: {  	[dreg:$0x1] =	wrdreg $0xFFFFFFFF  }
0xc2: {  	_ =	task.clear_ibuf [dreg:s7], $0x2FFFF;
	_ =	strace $0x9FFFFFFF  }
0xc3: {  	(tm) =	ssettm $0x7FFFFFFF  }
tec
execute0_lowered:
.L_overlay_start_1:
0x0: {  	(tag) =	ssettag $0x1  }
0x1: {  	s6 =	rddreg [dreg:$0x0]  }
0x2: {  	s7 =	rddreg [dreg:$0x1]  }
0x3: {  	s1 =	rddreg [dreg:$0x2];
	s2 =	srdreg.scid  }
0x4: {  	s0 =	rddreg [dreg:$0x3];
	s3 =	simm.s32 $0x0;
	s13 =	simm.s32 $0x80  }
0x5: {  	s14 =	simm.s32 $0x2800;
	s8 =	sand.u32 $0x1, s2;
	s2 =	stileid.u32  }
0x6: {  	s15 =	simm.s32 $0x0;
	[smem:$0x7FF] =	sst s3;
	s9 =	smul.u32 $0x13C000, s8  }
0x7: {  	s4 =	sadd.s32 $0x1200, s7;
	s5 =	sadd.s32 $0xA00, s7;
	s10 =	smul.u32 $0x13C00, s2  }
0x8: {  	_ =	strace $0x80000047;
	s28 =	sshll.u32 s8, $0x4;
	s8 =	ssub.s32 $0x2, s8  }
0x9: {  	s11 =	smul.u32 $0x4F000, s2;
	s31 =	sshll.u32 s2, $0x6;
	s12 =	sshrl.u32 s8, $0x1  }
0xa: {  	s9 =	sadd.s32 s10, s9;
	s10 =	sor.u32 s2, s28;
	s8 =	ssub.s32 s8, s12  }
0xb: {  	s29 =	sshrl.u32 s11, $0x2;
	s11 =	sor.u32 $0x1C01, s31;
	s9 =	sshrl.u32 s9, $0x3  }
0xc: {  	s10 =	smul.u32 $0x500, s10;
	s30 =	sadd.s32 s29, s1;
	s8 =	smax.u32 s8, $0x1  }
0xd: {  	s7 =	sadd.s32 s9, s7;
	s9 =	simm.s32 $0x1;
	s12 =	sshrl.u32 s30, $0x3  }
0xe: {  	s6 =	sadd.s32 s6, s10;
	s7 =	sadd.s32 $0x3A00, s7;
	s10 =	simm.s32 $0x2880  }
.LBB2_1:
0xf: {  	[tilespmem:s3], [sflag:$0x1] =	stream.linear.gather [hbm4b:s6+s3], $0x2800, $0x38;
	[tilespmem:$0x1A480] =	vst v63  }
0x10: {  	_ =	swait.ge [sflag:s9], $0x2800  }
0x11: {  	[sflag:s9] =	ssyncset.done $0x0  }
0x12: {  	[sflag:s9] =	ssyncadd.s32 $0xFFFFD800  }
0x13: {  	[tilespmem:s10], [sflag:$0x1] =	stream.linear.gather [hbm4b:s5+s3], $0x4000, $0x38;
	[tilespmem:$0x1A480] =	vst v63  }
0x14: {  	_ =	swait.ge [sflag:s9], $0x4000  }
0x15: {  	[sflag:s9] =	ssyncset.done $0x0  }
0x16: {  	[sflag:s9] =	ssyncadd.s32 $0xFFFFC000  }
0x17: {  	[spmem:s12], [sflag:s11] =	dma.local [hbm:s4], $0x2780  }
0x18: {  	_ =	swait.ge [sflag:s9], $0x2780  }
0x19: {  	[sflag:s9] =	ssyncset.done $0x0  }
0x1a: {  	[sflag:s9] =	ssyncadd.s32 $0xFFFFD880  }
0x1b: {  	s16 =	simm.s32 $0x0;
	[bflag:$0x0] =	sbarrier.arrive $0xFFFF  }
0x1c: {  	v0 =	vld [tilespmem:s16+$0x0];
	_ =	sdelay $0x4  }
0x1d: {  	v0 =	vand.u32 $0x3FFF, v0  }
0x1e: {  	[tilespmem:$0x2800] =	vst v0  }
0x1f: {  	v0 =	vld [tilespmem:s16+$0x10];
	_ =	sdelay $0x4  }
0x20: {  	v0 =	vand.u32 $0x3FFF, v0  }
0x21: {  	[tilespmem:$0x2810] =	vst v0  }
0x22: {  	v0 =	vld [tilespmem:s16+$0x20];
	_ =	sdelay $0x4  }
0x23: {  	v0 =	vand.u32 $0x3FFF, v0  }
0x24: {  	[tilespmem:$0x2820] =	vst v0  }
0x25: {  	v0 =	vld [tilespmem:s16+$0x30];
	_ =	sdelay $0x4  }
0x26: {  	v0 =	vand.u32 $0x3FFF, v0  }
0x27: {  	[tilespmem:$0x2830] =	vst v0  }
0x28: {  	v0 =	vld [tilespmem:s16+$0x40];
	_ =	sdelay $0x4  }
0x29: {  	v0 =	vand.u32 $0x3FFF, v0  }
0x2a: {  	[tilespmem:$0x2840] =	vst v0  }
0x2b: {  	v0 =	vld [tilespmem:s16+$0x50];
	_ =	sdelay $0x4  }
0x2c: {  	v0 =	vand.u32 $0x3FFF, v0  }
0x2d: {  	[tilespmem:$0x2850] =	vst v0  }
0x2e: {  	v0 =	vld [tilespmem:s16+$0x60];
	_ =	sdelay $0x4  }
0x2f: {  	v0 =	vand.u32 $0x3FFF, v0  }
0x30: {  	[tilespmem:$0x2860] =	vst v0  }
0x31: {  	v0 =	vld [tilespmem:s16+$0x70];
	_ =	sdelay $0x4  }
0x32: {  	v0 =	vand.u32 $0x3FFF, v0  }
0x33: {  	[tilespmem:$0x2870] =	vst v0  }
0x34: {  	[spmem:s1] =	stream.indirect.scatter.add.f32 [tilespmem:s10], [sflag:$0x1], $0x80, s14, s13, $0xb8;
	[tilespmem:$0x1A480] =	vst v63  }
0x35: {  	_ =	swait.ge [sflag:s9], $0x4000  }
0x36: {  	s19 =	simm.s32 $0x400;
	s16 =	simm.s32 $0x200;
	[sflag:s9] =	ssyncset.done $0x0  }
.LBB2_2:
0x37: {  	s18 =	sshra.s32 s16, $0x2  }
0x38: {  	[sflag:s9] =	ssyncadd.s32 $0xFFFFC000;
	s16 =	smov.u32 s19;
	s17 =	sadd.s32 $0x200, s19  }
0x39: {  	p0 =	sne.s32 s19, $0x9E00;
	v0 =	vld [tilespmem:s18+$0x0];
	_ =	sdelay $0x4  }
0x3a: {  	v0 =	vand.u32 $0x3FFF, v0  }
0x3b: {  	[tilespmem:$0x2800] =	vst v0  }
0x3c: {  	v0 =	vld [tilespmem:s18+$0x10];
	_ =	sdelay $0x4  }
0x3d: {  	v0 =	vand.u32 $0x3FFF, v0  }
0x3e: {  	[tilespmem:$0x2810] =	vst v0  }
0x3f: {  	v0 =	vld [tilespmem:s18+$0x20];
	_ =	sdelay $0x4  }
0x40: {  	v0 =	vand.u32 $0x3FFF, v0  }
0x41: {  	[tilespmem:$0x2820] =	vst v0  }
0x42: {  	v0 =	vld [tilespmem:s18+$0x30];
	_ =	sdelay $0x4  }
0x43: {  	v0 =	vand.u32 $0x3FFF, v0  }
0x44: {  	[tilespmem:$0x2830] =	vst v0  }
0x45: {  	v0 =	vld [tilespmem:s18+$0x40];
	_ =	sdelay $0x4  }
0x46: {  	v0 =	vand.u32 $0x3FFF, v0  }
0x47: {  	[tilespmem:$0x2840] =	vst v0  }
0x48: {  	v0 =	vld [tilespmem:s18+$0x50];
	_ =	sdelay $0x4  }
0x49: {  	v0 =	vand.u32 $0x3FFF, v0  }
0x4a: {  	[tilespmem:$0x2850] =	vst v0  }
0x4b: {  	v0 =	vld [tilespmem:s18+$0x60];
	_ =	sdelay $0x4  }
0x4c: {  	v0 =	vand.u32 $0x3FFF, v0  }
0x4d: {  	[tilespmem:$0x2860] =	vst v0  }
0x4e: {  	v0 =	vld [tilespmem:s18+$0x70];
	_ =	sdelay $0x4  }
.Ltmp0:
0x4f: {  	v0 =	vand.u32 $0x3FFF, v0;
	(pc) =	sbr.rel @p0 .LBB2_2-.Ltmp0, $4  }
0x50: {  	[tilespmem:$0x2870] =	vst v0  }
0x51: {  	[spmem:s1] =	stream.indirect.scatter.add.f32 [tilespmem:s10], [sflag:$0x1], $0x80, s14, s13, $0xb8;
	[tilespmem:$0x1A480] =	vst v63  }
0x52: {  	_ =	swait.ge [sflag:s9], $0x4000  }
0x53: {  	s19 =	smov.u32 s17;
	[sflag:s9] =	ssyncset.done $0x0  }
0x54: {  	s16 =	sshra.s32 s16, $0x2;
	[sflag:s9] =	ssyncadd.s32 $0xFFFFC000  }
0x55: {  	v0 =	vld [tilespmem:s16+$0x0];
	_ =	sdelay $0x4  }
0x56: {  	v0 =	vand.u32 $0x3FFF, v0  }
0x57: {  	[tilespmem:$0x2800] =	vst v0  }
0x58: {  	v0 =	vld [tilespmem:s16+$0x10];
	_ =	sdelay $0x4  }
0x59: {  	v0 =	vand.u32 $0x3FFF, v0  }
0x5a: {  	[tilespmem:$0x2810] =	vst v0  }
0x5b: {  	v0 =	vld [tilespmem:s16+$0x20];
	_ =	sdelay $0x4  }
0x5c: {  	v0 =	vand.u32 $0x3FFF, v0  }
0x5d: {  	[tilespmem:$0x2820] =	vst v0  }
0x5e: {  	v0 =	vld [tilespmem:s16+$0x30];
	_ =	sdelay $0x4  }
0x5f: {  	v0 =	vand.u32 $0x3FFF, v0  }
0x60: {  	[tilespmem:$0x2830] =	vst v0  }
0x61: {  	v0 =	vld [tilespmem:s16+$0x40];
	_ =	sdelay $0x4  }
0x62: {  	v0 =	vand.u32 $0x3FFF, v0  }
0x63: {  	[tilespmem:$0x2840] =	vst v0  }
0x64: {  	v0 =	vld [tilespmem:s16+$0x50];
	_ =	sdelay $0x4  }
0x65: {  	v0 =	vand.u32 $0x3FFF, v0  }
0x66: {  	[tilespmem:$0x2850] =	vst v0  }
0x67: {  	v0 =	vld [tilespmem:s16+$0x60];
	_ =	sdelay $0x4  }
0x68: {  	v0 =	vand.u32 $0x3FFF, v0  }
0x69: {  	[tilespmem:$0x2860] =	vst v0  }
0x6a: {  	v0 =	vld [tilespmem:s16+$0x70];
	_ =	sdelay $0x4  }
0x6b: {  	v0 =	vand.u32 $0x3FFF, v0  }
0x6c: {  	[tilespmem:$0x2870] =	vst v0  }
0x6d: {  	[spmem:s1] =	stream.indirect.scatter.add.f32 [tilespmem:s10], [sflag:$0x1], $0x80, s14, s13, $0xb8;
	[tilespmem:$0x1A480] =	vst v63  }
0x6e: {  	_ =	swait.ge [sflag:s9], $0x4000  }
0x6f: {  	s15 =	sadd.s32 $0x1, s15;
	[sflag:s9] =	ssyncset.done $0x0  }
0x70: {  	p0 =	sne.s32 s15, s8;
	[sflag:s9] =	ssyncadd.s32 $0xFFFFC000  }
.Ltmp1:
0x71: {  	[bflag:$0x0] =	sbarrier.arrive $0xFFFF;
	(pc) =	sbr.rel @p0 .LBB2_1-.Ltmp1, $4  }
0x72: {  	[hbm:s7], [sflag:s11] =	dma.local [spmem:s12], $0x2780  }
0x73: {  	_ =	swait.ge [sflag:s9], $0x2780  }
0x74: {  	[sflag:s9] =	ssyncset.done $0x0  }
0x75: {  	[sflag:s9] =	ssyncadd.s32 $0xFFFFD880  }
0x76: {  	_ =	sfence.sel $0x180000  }
0x77: {  	[bflag:$0x0] =	sbarrier.arrive $0xFFFF  }
0x78: {  	p0 =	sne.s32 s2, $0x0;
	_ =	strace $0x90000047  }
0x79: {  	s0 =	sadd.s32 @!p0 $0x100000, s0;
	[bflag:$0x2] =	sbarrier.arrive $0xFFFF  }
0x7a: {  	[sflag:s0] =	ssyncadd.tile.s32 @!p0 $0x1;
	_ =	shalt  }
.Lfunc_end2:
_tile_overlayer_lowered:
.L_overlay_start_2:
0x7b: {  	(tag) =	ssettag $0x2  }
0x7c: {  	s0 =	rddreg [dreg:$0x0];
	s2 =	stileid.u32  }
0x7d: {  	s1 =	rddreg [dreg:$0x1];
	p0 =	sne.s32 s2, $0x0  }
0x7e: {  	s3 =	rddreg [dreg:$0x2];
	[bflag:$0x3] =	sbarrier.arrive $0xFFFF;
	s2 =	simm.s32 @!p0 $0x1C01  }
0x7f: {  	[timem:s3], [sflag:s2] =	dma.local @!p0 [hbm:s0], s1  }
0x80: {  	s0 =	simm.s32 @!p0 $0x1  }
0x81: {  	_ =	swait.ge @!p0 [sflag:s0], s1  }
0x82: {  	s1 =	ssub.s32 @!p0 $0x0, s1;
	[sflag:s0] =	ssyncset.done @!p0 $0x0  }
0x83: {  	[sflag:s0] =	ssyncadd.s32 @!p0 s1  }
0x84: {  	[bflag:$0x3] =	sbarrier.arrive $0xFFFF  }
0x85: {  	_ =	shalt  }

</sc_bundles>
